<compile_context>
chip_gen: v7x
topology: tpu7x:2x2x1
jax: 0.10.2.dev20260603
libtpu: 0.0.44.dev20260713+nightly
codegen_flags: <defaults>
</compile_context>

<pallas_src>
import functools

import jax
import jax.numpy as jnp
from jax import lax
from jax.experimental import pallas as pl
from jax.experimental.pallas import tpu as pltpu
from jax.experimental.pallas import tpu_sc as plsc

_N = 10000
_E = 320000
_D = 128

_NP = 10112
_B = 128
_NCH = 80
_EPW = _NCH * _B
_EP = 32 * _EPW
_STRIPE = _NP // 16
_NBUF = 2
_NCH0 = 80
_NCH1 = 80
_NCHMAX = _NCH0

_mesh = plsc.VectorSubcoreMesh(
    core_axis_name="c", subcore_axis_name="s", num_cores=2, num_subcores=16
)



@functools.partial(
    pl.kernel,
    out_type=jax.ShapeDtypeStruct((2, _NP), jnp.float32),
    mesh=_mesh,
    scratch_types=[
        pltpu.VMEM((_B,), jnp.int32),
        pltpu.VMEM((_B,), jnp.float32),
        pltpu.VMEM_SHARED((_NP,), jnp.float32),
    ],
)
def _deg_kernel(dst_hbm, zeros_hbm, deg_out, dst_v, ones_v, deg_acc):
    c = lax.axis_index("c")
    s = lax.axis_index("s")
    wid = s * 2 + c

    @pl.when(s == 0)
    def _():
        pltpu.sync_copy(zeros_hbm, deg_acc)

    for k in range(_B // 16):
        ones_v[pl.ds(k * 16, 16)] = jnp.full((16,), 1.0, jnp.float32)
    plsc.subcore_barrier()

    def body(j, carry):
        off = wid * _EPW + j * _B
        pltpu.sync_copy(dst_hbm.at[pl.ds(off, _B)], dst_v)
        pltpu.sync_copy(ones_v, deg_acc.at[dst_v], add=True)
        return carry

    lax.fori_loop(0, _NCH, body, 0)
    plsc.subcore_barrier()

    @pl.when(s == 0)
    def _():
        pltpu.sync_copy(deg_acc, deg_out.at[c])


@functools.partial(
    pl.kernel,
    out_type=jax.ShapeDtypeStruct((2, _NP, _D), jnp.float32),
    mesh=_mesh,
    scratch_types=[
        pltpu.VMEM((_B,), jnp.int32),
        pltpu.VMEM((_B,), jnp.int32),
        pltpu.VMEM((_B, _D), jnp.float32),
        pltpu.VMEM_SHARED((_NP, _D), jnp.float32),
        pltpu.SemaphoreType.DMA,
    ],
)
def _edge_kernel(h_hbm, src_hbm, dst_hbm, zeros_hbm, acc_out,
                 src_v, dst_v, rows_v, acc, sem):
    c = lax.axis_index("c")
    s = lax.axis_index("s")
    wid = s * 2 + c

    pltpu.sync_copy(zeros_hbm, acc.at[pl.ds(s * _STRIPE, _STRIPE)])
    plsc.subcore_barrier()

    def body(j, carry):
        off = wid * _EPW + j * _B
        pltpu.sync_copy(src_hbm.at[pl.ds(off, _B)], src_v)
        pltpu.sync_copy(dst_hbm.at[pl.ds(off, _B)], dst_v)
        pltpu.async_copy(h_hbm.at[src_v], rows_v, sem).wait()
        pltpu.sync_copy(rows_v, acc.at[dst_v], add=True)
        return carry

    lax.fori_loop(0, _NCH, body, 0)
    plsc.subcore_barrier()
    pltpu.sync_copy(acc.at[pl.ds(s * _STRIPE, _STRIPE)],
                    acc_out.at[c, pl.ds(s * _STRIPE, _STRIPE)])



def _tc1_body(x_ref, w_ref, dinv_ref, o_ref):
    h = jnp.dot(x_ref[...], w_ref[...], preferred_element_type=jnp.float32,
                precision=lax.Precision.HIGHEST)
    o_ref[...] = h * dinv_ref[...]


def _tc2_body(a0_ref, a1_ref, hp_ref, dinv_ref, b_ref, w_ref, o_ref):
    t = (a0_ref[...] + a1_ref[...] + hp_ref[...]) * dinv_ref[...] + b_ref[...]
    h1 = jnp.maximum(t, 0.0)
    h2 = jnp.dot(h1, w_ref[...], preferred_element_type=jnp.float32,
                 precision=lax.Precision.HIGHEST)
    o_ref[...] = h2 * dinv_ref[...]


def _tc3_body(a0_ref, a1_ref, hp_ref, dinv_ref, b_ref, x_ref, o_ref):
    t = (a0_ref[...] + a1_ref[...] + hp_ref[...]) * dinv_ref[...] + b_ref[...]
    o_ref[...] = jnp.maximum(t, 0.0) + x_ref[...]


_row_blk = pl.BlockSpec((_D, _D), lambda i: (i, 0))
_full_w = pl.BlockSpec((_D, _D), lambda i: (0, 0))
_col_blk = pl.BlockSpec((_D, 1), lambda i: (i, 0))
_bias_blk = pl.BlockSpec((1, _D), lambda i: (0, 0))

_tc1 = pl.pallas_call(
    _tc1_body,
    grid=(_NP // _D,),
    in_specs=[_row_blk, _full_w, _col_blk],
    out_specs=_row_blk,
    out_shape=jax.ShapeDtypeStruct((_NP, _D), jnp.float32),
)

_tc2 = pl.pallas_call(
    _tc2_body,
    grid=(_NP // _D,),
    in_specs=[_row_blk, _row_blk, _row_blk, _col_blk, _bias_blk, _full_w],
    out_specs=_row_blk,
    out_shape=jax.ShapeDtypeStruct((_NP, _D), jnp.float32),
)

_tc3 = pl.pallas_call(
    _tc3_body,
    grid=(_NP // _D,),
    in_specs=[_row_blk, _row_blk, _row_blk, _col_blk, _bias_blk, _row_blk],
    out_specs=_row_blk,
    out_shape=jax.ShapeDtypeStruct((_NP, _D), jnp.float32),
)



@jax.jit
def kernel(x, edge_index, W1, b1, W2, b2):
    if x.ndim == 3:
        x = jnp.squeeze(x, axis=1)
    x_p = jnp.pad(x, ((0, _NP - _N), (0, 0)))
    pad = jnp.full((_EP - _E,), _N, jnp.int32)
    src_p = jnp.concatenate([edge_index[0], pad])
    dst_p = jnp.concatenate([edge_index[1], pad])
    zeros_n = jnp.zeros((_NP,), jnp.float32)
    zeros_blk = jnp.zeros((_STRIPE, _D), jnp.float32)

    deg2 = _deg_kernel(dst_p, zeros_n)
    dinv = lax.rsqrt(jnp.maximum(deg2[0] + deg2[1] + 1.0, 1e-12))
    dinv = dinv.reshape(_NP, 1)

    hp1 = _tc1(x_p, W1, dinv)
    acc1 = _edge_kernel(hp1, src_p, dst_p, zeros_blk)
    hp2 = _tc2(acc1[0], acc1[1], hp1, dinv, b1.reshape(1, _D), W2)
    acc2 = _edge_kernel(hp2, src_p, dst_p, zeros_blk)
    out = _tc3(acc2[0], acc2[1], hp2, dinv, b2.reshape(1, _D), x_p)
    return out[:_N]

# --- scband reference (transcript-rebuilt; emitter-appended) ---
"""Pipeline reference for scband-temporal-gcn-31258771980774 (READ-ONLY COPY).

The authoritative reference and input builder live on the scoring server;
editing this copy changes nothing except your own understanding.
"""

import jax, jax.numpy as jnp
import numpy as np

N = 10000
E = 320000
D = 128


def setup_inputs(seed: int = 0) -> dict:
    key = jax.random.key(seed)
    k1, k2, k3, k4, k5, k6 = jax.random.split(key, 6)
    x = jax.random.normal(k1, (N, D), dtype=jnp.float32)
    edge_index = jax.random.randint(k2, (2, E), 0, N, dtype=jnp.int32)
    s = 1.0 / np.sqrt(D)
    W1 = jax.random.uniform(k3, (D, D), dtype=jnp.float32, minval=-s, maxval=s)
    b1 = jax.random.uniform(k4, (D,), dtype=jnp.float32, minval=-s, maxval=s)
    W2 = jax.random.uniform(k5, (D, D), dtype=jnp.float32, minval=-s, maxval=s)
    b2 = jax.random.uniform(k6, (D,), dtype=jnp.float32, minval=-s, maxval=s)
    return {"x": x, "edge_index": edge_index, "W1": W1, "b1": b1, "W2": W2, "b2": b2}


def _gcn_conv(x, W, b, src, dst, n):
    # GCNConv with added self-loops and symmetric normalization (PyG semantics)
    loop = jnp.arange(n, dtype=src.dtype)
    s = jnp.concatenate([src, loop])
    d = jnp.concatenate([dst, loop])
    deg = jnp.zeros((n,), x.dtype).at[d].add(1.0)
    dinv = jax.lax.rsqrt(jnp.maximum(deg, 1e-12))
    norm = dinv[s] * dinv[d]
    h = x @ W
    msg = jnp.take(h, s, axis=0) * norm[:, None]
    out = jnp.zeros((n, W.shape[1]), x.dtype).at[d].add(msg)
    return out + b


def reference(x, edge_index, W1, b1, W2, b2):
    if x.ndim == 3:
        x = jnp.squeeze(x, axis=1)
    src, dst = edge_index[0], edge_index[1]
    n = x.shape[0]
    identity = x
    h = jax.nn.relu(_gcn_conv(x, W1, b1, src, dst, n))
    # dropout is identity in eval mode
    h = jax.nn.relu(_gcn_conv(h, W2, b2, src, dst, n))
    return h + identity

if __name__ == "__main__":
    import jax
    _d = setup_inputs()
    print(jax.jit(kernel)(*tuple(_d.values())))

</pallas_src>

<mosaic_0001>
#map = affine_map<(d0, d1) -> (0)>
#map1 = affine_map<(d0, d1) -> (0, 0)>
module attributes {stable_mosaic.version = 14 : i64} {
  func.func @_deg_kernel(%arg0: i32, %arg1: i32, %arg2: memref<327680xi32, #tpu.memory_space<hbm>>, %arg3: memref<10112xf32, #tpu.memory_space<hbm>>, %arg4: memref<2x10112xf32, #tpu.memory_space<hbm>>, %arg5: memref<128xi32, #tpu.memory_space<vmem>>, %arg6: memref<128xf32, #tpu.memory_space<vmem>>, %arg7: memref<10112xf32, #tpu.memory_space<vmem_shared>>) attributes {dimension_semantics = [#tpu.dimension_semantics<core_parallel>, #tpu.dimension_semantics<subcore_parallel>], iteration_bounds = array<i64: 2, 16>, scalar_prefetch = 0 : i64, scratch_operands = 3 : i64, tpu.core_type = #tpu.core_type<sc_vector_subcore>, window_params = [{transform_indices = #map}, {transform_indices = #map}, {transform_indices = #map1}]} {
    %mul3A = arith.constant 2 : i32
    %mul3A_0 = arith.muli %arg1, %mul3A : i32
    %add3A = arith.addi %mul3A_0, %arg0 : i32
    %eq3A = arith.constant 0 : i32
    %eq3A_1 = arith.cmpi eq, %arg1, %eq3A : i32
    %convert_element_type3A = arith.extui %eq3A_1 : i1 to i32
    %cond3A = arith.constant 0 : i32
    %cond3A_2 = arith.cmpi ne, %convert_element_type3A, %cond3A : i32
    scf.if %cond3A_2 {
      "tpu.region"() ({
        %run_scoped3A = tpu.sem_alloc : memref<!tpu.dma_semaphore, #tpu.memory_space<semaphore_mem>>
        tpu.enqueue_dma source(%arg3 : memref<10112xf32, #tpu.memory_space<hbm>>) target(%arg7 : memref<10112xf32, #tpu.memory_space<vmem_shared>>) target_semaphore(%run_scoped3A : memref<!tpu.dma_semaphore, #tpu.memory_space<semaphore_mem>>)
        tpu.wait_dma2 semaphore(%run_scoped3A : memref<!tpu.dma_semaphore, #tpu.memory_space<semaphore_mem>>) src(%arg3 : memref<10112xf32, #tpu.memory_space<hbm>>) dst(%arg7 : memref<10112xf32, #tpu.memory_space<vmem_shared>>)
        tpu.yield
      }) : () -> ()
    } else {
    }
    %broadcast_in_dim3A = arith.constant 1.000000e+00 : f32
    %broadcast_in_dim3A_3 = vector.broadcast %broadcast_in_dim3A : f32 to vector<16xf32>
    %swap3A = arith.constant 0 : index
    %swap3A_4 = tpu.vector_load %arg6[%swap3A] {strides = array<i32>} : memref<128xf32, #tpu.memory_space<vmem>>, vector<16xf32>,
    %swap3A_5 = vector.shape_cast %swap3A_4 : vector<16xf32> to vector<16xf32>
    %swap3A_6 = vector.shape_cast %broadcast_in_dim3A_3 : vector<16xf32> to vector<16xf32>
    tpu.vector_store %arg6[%swap3A], %swap3A_6 {strides = array<i32>} : memref<128xf32, #tpu.memory_space<vmem>>, vector<16xf32>,
    %broadcast_in_dim3A_7 = arith.constant 1.000000e+00 : f32
    %broadcast_in_dim3A_8 = vector.broadcast %broadcast_in_dim3A_7 : f32 to vector<16xf32>
    %swap3A_9 = arith.constant 16 : index
    %swap3A_10 = tpu.vector_load %arg6[%swap3A_9] {strides = array<i32>} : memref<128xf32, #tpu.memory_space<vmem>>, vector<16xf32>,
    %swap3A_11 = vector.shape_cast %swap3A_10 : vector<16xf32> to vector<16xf32>
    %swap3A_12 = vector.shape_cast %broadcast_in_dim3A_8 : vector<16xf32> to vector<16xf32>
    tpu.vector_store %arg6[%swap3A_9], %swap3A_12 {strides = array<i32>} : memref<128xf32, #tpu.memory_space<vmem>>, vector<16xf32>,
    %broadcast_in_dim3A_13 = arith.constant 1.000000e+00 : f32
    %broadcast_in_dim3A_14 = vector.broadcast %broadcast_in_dim3A_13 : f32 to vector<16xf32>
    %swap3A_15 = arith.constant 32 : index
    %swap3A_16 = tpu.vector_load %arg6[%swap3A_15] {strides = array<i32>} : memref<128xf32, #tpu.memory_space<vmem>>, vector<16xf32>,
    %swap3A_17 = vector.shape_cast %swap3A_16 : vector<16xf32> to vector<16xf32>
    %swap3A_18 = vector.shape_cast %broadcast_in_dim3A_14 : vector<16xf32> to vector<16xf32>
    tpu.vector_store %arg6[%swap3A_15], %swap3A_18 {strides = array<i32>} : memref<128xf32, #tpu.memory_space<vmem>>, vector<16xf32>,
    %broadcast_in_dim3A_19 = arith.constant 1.000000e+00 : f32
    %broadcast_in_dim3A_20 = vector.broadcast %broadcast_in_dim3A_19 : f32 to vector<16xf32>
    %swap3A_21 = arith.constant 48 : index
    %swap3A_22 = tpu.vector_load %arg6[%swap3A_21] {strides = array<i32>} : memref<128xf32, #tpu.memory_space<vmem>>, vector<16xf32>,
    %swap3A_23 = vector.shape_cast %swap3A_22 : vector<16xf32> to vector<16xf32>
    %swap3A_24 = vector.shape_cast %broadcast_in_dim3A_20 : vector<16xf32> to vector<16xf32>
    tpu.vector_store %arg6[%swap3A_21], %swap3A_24 {strides = array<i32>} : memref<128xf32, #tpu.memory_space<vmem>>, vector<16xf32>,
    %broadcast_in_dim3A_25 = arith.constant 1.000000e+00 : f32
    %broadcast_in_dim3A_26 = vector.broadcast %broadcast_in_dim3A_25 : f32 to vector<16xf32>
    %swap3A_27 = arith.constant 64 : index
    %swap3A_28 = tpu.vector_load %arg6[%swap3A_27] {strides = array<i32>} : memref<128xf32, #tpu.memory_space<vmem>>, vector<16xf32>,
    %swap3A_29 = vector.shape_cast %swap3A_28 : vector<16xf32> to vector<16xf32>
    %swap3A_30 = vector.shape_cast %broadcast_in_dim3A_26 : vector<16xf32> to vector<16xf32>
    tpu.vector_store %arg6[%swap3A_27], %swap3A_30 {strides = array<i32>} : memref<128xf32, #tpu.memory_space<vmem>>, vector<16xf32>,
    %broadcast_in_dim3A_31 = arith.constant 1.000000e+00 : f32
    %broadcast_in_dim3A_32 = vector.broadcast %broadcast_in_dim3A_31 : f32 to vector<16xf32>
    %swap3A_33 = arith.constant 80 : index
    %swap3A_34 = tpu.vector_load %arg6[%swap3A_33] {strides = array<i32>} : memref<128xf32, #tpu.memory_space<vmem>>, vector<16xf32>,
    %swap3A_35 = vector.shape_cast %swap3A_34 : vector<16xf32> to vector<16xf32>
    %swap3A_36 = vector.shape_cast %broadcast_in_dim3A_32 : vector<16xf32> to vector<16xf32>
    tpu.vector_store %arg6[%swap3A_33], %swap3A_36 {strides = array<i32>} : memref<128xf32, #tpu.memory_space<vmem>>, vector<16xf32>,
    %broadcast_in_dim3A_37 = arith.constant 1.000000e+00 : f32
    %broadcast_in_dim3A_38 = vector.broadcast %broadcast_in_dim3A_37 : f32 to vector<16xf32>
    %swap3A_39 = arith.constant 96 : index
    %swap3A_40 = tpu.vector_load %arg6[%swap3A_39] {strides = array<i32>} : memref<128xf32, #tpu.memory_space<vmem>>, vector<16xf32>,
    %swap3A_41 = vector.shape_cast %swap3A_40 : vector<16xf32> to vector<16xf32>
    %swap3A_42 = vector.shape_cast %broadcast_in_dim3A_38 : vector<16xf32> to vector<16xf32>
    tpu.vector_store %arg6[%swap3A_39], %swap3A_42 {strides = array<i32>} : memref<128xf32, #tpu.memory_space<vmem>>, vector<16xf32>,
    %broadcast_in_dim3A_43 = arith.constant 1.000000e+00 : f32
    %broadcast_in_dim3A_44 = vector.broadcast %broadcast_in_dim3A_43 : f32 to vector<16xf32>
    %swap3A_45 = arith.constant 112 : index
    %swap3A_46 = tpu.vector_load %arg6[%swap3A_45] {strides = array<i32>} : memref<128xf32, #tpu.memory_space<vmem>>, vector<16xf32>,
    %swap3A_47 = vector.shape_cast %swap3A_46 : vector<16xf32> to vector<16xf32>
    %swap3A_48 = vector.shape_cast %broadcast_in_dim3A_44 : vector<16xf32> to vector<16xf32>
    tpu.vector_store %arg6[%swap3A_45], %swap3A_48 {strides = array<i32>} : memref<128xf32, #tpu.memory_space<vmem>>, vector<16xf32>,
    %barrier3A = arith.constant 0 : index
    tpu.barrier barrier_id(%barrier3A)
    %scan3A = arith.constant 0 : i32
    %scan3A_49 = arith.constant 0 : i32
    %scan3A_50 = arith.constant 80 : i32
    %scan3A_51 = arith.addi %scan3A_49, %scan3A_50 : i32
    %scan3A_52 = arith.constant 1 : i32
    scf.for %scan3A_60 = %scan3A_49 to %scan3A_51 step %scan3A_52  : i32 {
      %mul3A_61 = arith.constant 10240 : i32
      %mul3A_62 = arith.muli %add3A, %mul3A_61 : i32
      %mul3A_63 = arith.constant 128 : i32
      %mul3A_64 = arith.muli %scan3A_60, %mul3A_63 : i32
      %add3A_65 = arith.addi %mul3A_62, %mul3A_64 : i32
      "tpu.region"() ({
        %run_scoped3A = tpu.sem_alloc : memref<!tpu.dma_semaphore, #tpu.memory_space<semaphore_mem>>
        %dma_start3A = tpu.memref_slice %arg2[%add3A_65] : memref<327680xi32, #tpu.memory_space<hbm>> -> memref<128xi32, #tpu.memory_space<hbm>>
        %dma_start3A_66 = tpu.memref_slice %arg2[%add3A_65] : memref<327680xi32, #tpu.memory_space<hbm>> -> memref<128xi32, #tpu.memory_space<hbm>>
        tpu.enqueue_dma source(%dma_start3A_66 : memref<128xi32, #tpu.memory_space<hbm>>) target(%arg5 : memref<128xi32, #tpu.memory_space<vmem>>) target_semaphore(%run_scoped3A : memref<!tpu.dma_semaphore, #tpu.memory_space<semaphore_mem>>)
        %dma_wait3A = tpu.memref_slice %arg2[%add3A_65] : memref<327680xi32, #tpu.memory_space<hbm>> -> memref<128xi32, #tpu.memory_space<hbm>>
        %dma_wait3A_67 = tpu.memref_slice %arg2[%add3A_65] : memref<327680xi32, #tpu.memory_space<hbm>> -> memref<128xi32, #tpu.memory_space<hbm>>
        tpu.wait_dma2 semaphore(%run_scoped3A : memref<!tpu.dma_semaphore, #tpu.memory_space<semaphore_mem>>) src(%dma_wait3A_67 : memref<128xi32, #tpu.memory_space<hbm>>) dst(%arg5 : memref<128xi32, #tpu.memory_space<vmem>>)
        tpu.yield
      }) : () -> ()
      "tpu.region"() ({
        %run_scoped3A = tpu.sem_alloc : memref<!tpu.dma_semaphore, #tpu.memory_space<semaphore_mem>>
        %dma_start3A = arith.constant 0 : i32
        %dma_start3A_66 = tpu.memref_slice %arg7[%dma_start3A] : memref<10112xf32, #tpu.memory_space<vmem_shared>> -> memref<10112xf32, #tpu.memory_space<vmem_shared>>
        tpu.enqueue_indirect_dma source(%arg6 : memref<128xf32, #tpu.memory_space<vmem>>) target(%dma_start3A_66 : memref<10112xf32, #tpu.memory_space<vmem_shared>>) offsets(%arg5 : memref<128xi32, #tpu.memory_space<vmem>>) semaphore(%run_scoped3A : memref<!tpu.dma_semaphore, #tpu.memory_space<semaphore_mem>>) {add = true}
        %dma_wait3A = arith.constant 0 : i32
        %dma_wait3A_67 = tpu.memref_slice %arg7[%dma_wait3A] : memref<10112xf32, #tpu.memory_space<vmem_shared>> -> memref<10112xf32, #tpu.memory_space<vmem_shared>>
        tpu.wait_indirect_dma semaphore(%run_scoped3A : memref<!tpu.dma_semaphore, #tpu.memory_space<semaphore_mem>>) src(%arg6 : memref<128xf32, #tpu.memory_space<vmem>>) dst(%dma_wait3A_67 : memref<10112xf32, #tpu.memory_space<vmem_shared>>)
        tpu.yield
      }) : () -> ()
    }
    %scan3A_53 = arith.constant 80 : i32
    %barrier3A_54 = arith.constant 0 : index
    tpu.barrier barrier_id(%barrier3A_54)
    %eq3A_55 = arith.constant 0 : i32
    %eq3A_56 = arith.cmpi eq, %arg1, %eq3A_55 : i32
    %convert_element_type3A_57 = arith.extui %eq3A_56 : i1 to i32
    %cond3A_58 = arith.constant 0 : i32
    %cond3A_59 = arith.cmpi ne, %convert_element_type3A_57, %cond3A_58 : i32
    scf.if %cond3A_59 {
      "tpu.region"() ({
        %run_scoped3A = tpu.sem_alloc : memref<!tpu.dma_semaphore, #tpu.memory_space<semaphore_mem>>
        %dma_start3A = arith.constant 0 : i32
        %dma_start3A_60 = tpu.memref_slice %arg4[%arg0, %dma_start3A] : memref<2x10112xf32, #tpu.memory_space<hbm>> -> memref<1x10112xf32, #tpu.memory_space<hbm>>
        %dma_start3A_61 = tpu.memref_squeeze %dma_start3A_60 : memref<1x10112xf32, #tpu.memory_space<hbm>> -> memref<10112xf32, #tpu.memory_space<hbm>>
        tpu.enqueue_dma source(%arg7 : memref<10112xf32, #tpu.memory_space<vmem_shared>>) target(%dma_start3A_61 : memref<10112xf32, #tpu.memory_space<hbm>>) target_semaphore(%run_scoped3A : memref<!tpu.dma_semaphore, #tpu.memory_space<semaphore_mem>>)
        %dma_wait3A = arith.constant 0 : i32
        %dma_wait3A_62 = tpu.memref_slice %arg4[%arg0, %dma_wait3A] : memref<2x10112xf32, #tpu.memory_space<hbm>> -> memref<1x10112xf32, #tpu.memory_space<hbm>>
        %dma_wait3A_63 = tpu.memref_squeeze %dma_wait3A_62 : memref<1x10112xf32, #tpu.memory_space<hbm>> -> memref<10112xf32, #tpu.memory_space<hbm>>
        tpu.wait_dma2 semaphore(%run_scoped3A : memref<!tpu.dma_semaphore, #tpu.memory_space<semaphore_mem>>) src(%arg7 : memref<10112xf32, #tpu.memory_space<vmem_shared>>) dst(%dma_wait3A_63 : memref<10112xf32, #tpu.memory_space<hbm>>)
        tpu.yield
      }) : () -> ()
    } else {
    }
    return
  }
}

#map = affine_map<(d0, d1) -> (0, 0)>
#map1 = affine_map<(d0, d1) -> (0)>
#map2 = affine_map<(d0, d1) -> (0, 0, 0)>
module attributes {stable_mosaic.version = 14 : i64} {
  func.func @_edge_kernel(%arg0: i32, %arg1: i32, %arg2: memref<10112x128xf32, #tpu.memory_space<hbm>>, %arg3: memref<327680xi32, #tpu.memory_space<hbm>>, %arg4: memref<327680xi32, #tpu.memory_space<hbm>>, %arg5: memref<632x128xf32, #tpu.memory_space<hbm>>, %arg6: memref<2x10112x128xf32, #tpu.memory_space<hbm>>, %arg7: memref<128xi32, #tpu.memory_space<vmem>>, %arg8: memref<128xi32, #tpu.memory_space<vmem>>, %arg9: memref<128x128xf32, #tpu.memory_space<vmem>>, %arg10: memref<10112x128xf32, #tpu.memory_space<vmem_shared>>, %arg11: memref<!tpu.dma_semaphore, #tpu.memory_space<semaphore_mem>>) attributes {dimension_semantics = [#tpu.dimension_semantics<core_parallel>, #tpu.dimension_semantics<subcore_parallel>], iteration_bounds = array<i64: 2, 16>, scalar_prefetch = 0 : i64, scratch_operands = 5 : i64, tpu.core_type = #tpu.core_type<sc_vector_subcore>, window_params = [{transform_indices = #map}, {transform_indices = #map1}, {transform_indices = #map1}, {transform_indices = #map}, {transform_indices = #map2}]} {
    %mul3A = arith.constant 2 : i32
    %mul3A_0 = arith.muli %arg1, %mul3A : i32
    %add3A = arith.addi %mul3A_0, %arg0 : i32
    %mul3A_1 = arith.constant 632 : i32
    %mul3A_2 = arith.muli %arg1, %mul3A_1 : i32
    "tpu.region"() ({
      %run_scoped3A = tpu.sem_alloc : memref<!tpu.dma_semaphore, #tpu.memory_space<semaphore_mem>>
      %dma_start3A = arith.constant 0 : i32
      %dma_start3A_13 = tpu.memref_slice %arg10[%mul3A_2, %dma_start3A] : memref<10112x128xf32, #tpu.memory_space<vmem_shared>> -> memref<632x128xf32, #tpu.memory_space<vmem_shared>>
      tpu.enqueue_dma source(%arg5 : memref<632x128xf32, #tpu.memory_space<hbm>>) target(%dma_start3A_13 : memref<632x128xf32, #tpu.memory_space<vmem_shared>>) target_semaphore(%run_scoped3A : memref<!tpu.dma_semaphore, #tpu.memory_space<semaphore_mem>>)
      %dma_wait3A = arith.constant 0 : i32
      %dma_wait3A_14 = tpu.memref_slice %arg10[%mul3A_2, %dma_wait3A] : memref<10112x128xf32, #tpu.memory_space<vmem_shared>> -> memref<632x128xf32, #tpu.memory_space<vmem_shared>>
      tpu.wait_dma2 semaphore(%run_scoped3A : memref<!tpu.dma_semaphore, #tpu.memory_space<semaphore_mem>>) src(%arg5 : memref<632x128xf32, #tpu.memory_space<hbm>>) dst(%dma_wait3A_14 : memref<632x128xf32, #tpu.memory_space<vmem_shared>>)
      tpu.yield
    }) : () -> ()
    %barrier3A = arith.constant 0 : index
    tpu.barrier barrier_id(%barrier3A)
    %scan3A = arith.constant 0 : i32
    %scan3A_3 = arith.constant 0 : i32
    %scan3A_4 = arith.constant 80 : i32
    %scan3A_5 = arith.addi %scan3A_3, %scan3A_4 : i32
    %scan3A_6 = arith.constant 1 : i32
    scf.for %scan3A_13 = %scan3A_3 to %scan3A_5 step %scan3A_6  : i32 {
      %mul3A_14 = arith.constant 10240 : i32
      %mul3A_15 = arith.muli %add3A, %mul3A_14 : i32
      %mul3A_16 = arith.constant 128 : i32
      %mul3A_17 = arith.muli %scan3A_13, %mul3A_16 : i32
      %add3A_18 = arith.addi %mul3A_15, %mul3A_17 : i32
      "tpu.region"() ({
        %run_scoped3A = tpu.sem_alloc : memref<!tpu.dma_semaphore, #tpu.memory_space<semaphore_mem>>
        %dma_start3A_23 = tpu.memref_slice %arg3[%add3A_18] : memref<327680xi32, #tpu.memory_space<hbm>> -> memref<128xi32, #tpu.memory_space<hbm>>
        %dma_start3A_24 = tpu.memref_slice %arg3[%add3A_18] : memref<327680xi32, #tpu.memory_space<hbm>> -> memref<128xi32, #tpu.memory_space<hbm>>
        tpu.enqueue_dma source(%dma_start3A_24 : memref<128xi32, #tpu.memory_space<hbm>>) target(%arg7 : memref<128xi32, #tpu.memory_space<vmem>>) target_semaphore(%run_scoped3A : memref<!tpu.dma_semaphore, #tpu.memory_space<semaphore_mem>>)
        %dma_wait3A_25 = tpu.memref_slice %arg3[%add3A_18] : memref<327680xi32, #tpu.memory_space<hbm>> -> memref<128xi32, #tpu.memory_space<hbm>>
        %dma_wait3A_26 = tpu.memref_slice %arg3[%add3A_18] : memref<327680xi32, #tpu.memory_space<hbm>> -> memref<128xi32, #tpu.memory_space<hbm>>
        tpu.wait_dma2 semaphore(%run_scoped3A : memref<!tpu.dma_semaphore, #tpu.memory_space<semaphore_mem>>) src(%dma_wait3A_26 : memref<128xi32, #tpu.memory_space<hbm>>) dst(%arg7 : memref<128xi32, #tpu.memory_space<vmem>>)
        tpu.yield
      }) : () -> ()
      "tpu.region"() ({
        %run_scoped3A = tpu.sem_alloc : memref<!tpu.dma_semaphore, #tpu.memory_space<semaphore_mem>>
        %dma_start3A_23 = tpu.memref_slice %arg4[%add3A_18] : memref<327680xi32, #tpu.memory_space<hbm>> -> memref<128xi32, #tpu.memory_space<hbm>>
        %dma_start3A_24 = tpu.memref_slice %arg4[%add3A_18] : memref<327680xi32, #tpu.memory_space<hbm>> -> memref<128xi32, #tpu.memory_space<hbm>>
        tpu.enqueue_dma source(%dma_start3A_24 : memref<128xi32, #tpu.memory_space<hbm>>) target(%arg8 : memref<128xi32, #tpu.memory_space<vmem>>) target_semaphore(%run_scoped3A : memref<!tpu.dma_semaphore, #tpu.memory_space<semaphore_mem>>)
        %dma_wait3A_25 = tpu.memref_slice %arg4[%add3A_18] : memref<327680xi32, #tpu.memory_space<hbm>> -> memref<128xi32, #tpu.memory_space<hbm>>
        %dma_wait3A_26 = tpu.memref_slice %arg4[%add3A_18] : memref<327680xi32, #tpu.memory_space<hbm>> -> memref<128xi32, #tpu.memory_space<hbm>>
        tpu.wait_dma2 semaphore(%run_scoped3A : memref<!tpu.dma_semaphore, #tpu.memory_space<semaphore_mem>>) src(%dma_wait3A_26 : memref<128xi32, #tpu.memory_space<hbm>>) dst(%arg8 : memref<128xi32, #tpu.memory_space<vmem>>)
        tpu.yield
      }) : () -> ()
      %dma_start3A = arith.constant 0 : i32
      %dma_start3A_19 = arith.constant 0 : i32
      %dma_start3A_20 = tpu.memref_slice %arg2[%dma_start3A, %dma_start3A_19] : memref<10112x128xf32, #tpu.memory_space<hbm>> -> memref<10112x128xf32, #tpu.memory_space<hbm>>
      tpu.enqueue_indirect_dma source(%dma_start3A_20 : memref<10112x128xf32, #tpu.memory_space<hbm>>) target(%arg9 : memref<128x128xf32, #tpu.memory_space<vmem>>) offsets(%arg7 : memref<128xi32, #tpu.memory_space<vmem>>) semaphore(%arg11 : memref<!tpu.dma_semaphore, #tpu.memory_space<semaphore_mem>>)
      %dma_wait3A = arith.constant 0 : i32
      %dma_wait3A_21 = arith.constant 0 : i32
      %dma_wait3A_22 = tpu.memref_slice %arg2[%dma_wait3A, %dma_wait3A_21] : memref<10112x128xf32, #tpu.memory_space<hbm>> -> memref<10112x128xf32, #tpu.memory_space<hbm>>
      tpu.wait_indirect_dma semaphore(%arg11 : memref<!tpu.dma_semaphore, #tpu.memory_space<semaphore_mem>>) src(%dma_wait3A_22 : memref<10112x128xf32, #tpu.memory_space<hbm>>) dst(%arg9 : memref<128x128xf32, #tpu.memory_space<vmem>>)
      "tpu.region"() ({
        %run_scoped3A = tpu.sem_alloc : memref<!tpu.dma_semaphore, #tpu.memory_space<semaphore_mem>>
        %dma_start3A_23 = arith.constant 0 : i32
        %dma_start3A_24 = arith.constant 0 : i32
        %dma_start3A_25 = tpu.memref_slice %arg10[%dma_start3A_23, %dma_start3A_24] : memref<10112x128xf32, #tpu.memory_space<vmem_shared>> -> memref<10112x128xf32, #tpu.memory_space<vmem_shared>>
        tpu.enqueue_indirect_dma source(%arg9 : memref<128x128xf32, #tpu.memory_space<vmem>>) target(%dma_start3A_25 : memref<10112x128xf32, #tpu.memory_space<vmem_shared>>) offsets(%arg8 : memref<128xi32, #tpu.memory_space<vmem>>) semaphore(%run_scoped3A : memref<!tpu.dma_semaphore, #tpu.memory_space<semaphore_mem>>) {add = true}
        %dma_wait3A_26 = arith.constant 0 : i32
        %dma_wait3A_27 = arith.constant 0 : i32
        %dma_wait3A_28 = tpu.memref_slice %arg10[%dma_wait3A_26, %dma_wait3A_27] : memref<10112x128xf32, #tpu.memory_space<vmem_shared>> -> memref<10112x128xf32, #tpu.memory_space<vmem_shared>>
        tpu.wait_indirect_dma semaphore(%run_scoped3A : memref<!tpu.dma_semaphore, #tpu.memory_space<semaphore_mem>>) src(%arg9 : memref<128x128xf32, #tpu.memory_space<vmem>>) dst(%dma_wait3A_28 : memref<10112x128xf32, #tpu.memory_space<vmem_shared>>)
        tpu.yield
      }) : () -> ()
    }
    %scan3A_7 = arith.constant 80 : i32
    %barrier3A_8 = arith.constant 0 : index
    tpu.barrier barrier_id(%barrier3A_8)
    %mul3A_9 = arith.constant 632 : i32
    %mul3A_10 = arith.muli %arg1, %mul3A_9 : i32
    %mul3A_11 = arith.constant 632 : i32
    %mul3A_12 = arith.muli %arg1, %mul3A_11 : i32
    "tpu.region"() ({
      %run_scoped3A = tpu.sem_alloc : memref<!tpu.dma_semaphore, #tpu.memory_space<semaphore_mem>>
      %dma_start3A = arith.constant 0 : i32
      %dma_start3A_13 = tpu.memref_slice %arg6[%arg0, %mul3A_12, %dma_start3A] : memref<2x10112x128xf32, #tpu.memory_space<hbm>> -> memref<1x632x128xf32, #tpu.memory_space<hbm>>
      %dma_start3A_14 = tpu.memref_squeeze %dma_start3A_13 : memref<1x632x128xf32, #tpu.memory_space<hbm>> -> memref<632x128xf32, #tpu.memory_space<hbm>>
      %dma_start3A_15 = arith.constant 0 : i32
      %dma_start3A_16 = tpu.memref_slice %arg10[%mul3A_10, %dma_start3A_15] : memref<10112x128xf32, #tpu.memory_space<vmem_shared>> -> memref<632x128xf32, #tpu.memory_space<vmem_shared>>
      tpu.enqueue_dma source(%dma_start3A_16 : memref<632x128xf32, #tpu.memory_space<vmem_shared>>) target(%dma_start3A_14 : memref<632x128xf32, #tpu.memory_space<hbm>>) target_semaphore(%run_scoped3A : memref<!tpu.dma_semaphore, #tpu.memory_space<semaphore_mem>>)
      %dma_wait3A = arith.constant 0 : i32
      %dma_wait3A_17 = tpu.memref_slice %arg6[%arg0, %mul3A_12, %dma_wait3A] : memref<2x10112x128xf32, #tpu.memory_space<hbm>> -> memref<1x632x128xf32, #tpu.memory_space<hbm>>
      %dma_wait3A_18 = tpu.memref_squeeze %dma_wait3A_17 : memref<1x632x128xf32, #tpu.memory_space<hbm>> -> memref<632x128xf32, #tpu.memory_space<hbm>>
      %dma_wait3A_19 = arith.constant 0 : i32
      %dma_wait3A_20 = tpu.memref_slice %arg10[%mul3A_10, %dma_wait3A_19] : memref<10112x128xf32, #tpu.memory_space<vmem_shared>> -> memref<632x128xf32, #tpu.memory_space<vmem_shared>>
      tpu.wait_dma2 semaphore(%run_scoped3A : memref<!tpu.dma_semaphore, #tpu.memory_space<semaphore_mem>>) src(%dma_wait3A_20 : memref<632x128xf32, #tpu.memory_space<vmem_shared>>) dst(%dma_wait3A_18 : memref<632x128xf32, #tpu.memory_space<hbm>>)
      tpu.yield
    }) : () -> ()
    return
  }
}

#map = affine_map<(d0, d1) -> (0, 0)>
#map1 = affine_map<(d0, d1) -> (0)>
#map2 = affine_map<(d0, d1) -> (0, 0, 0)>
module attributes {stable_mosaic.version = 14 : i64} {
  func.func @_edge_kernel(%arg0: i32, %arg1: i32, %arg2: memref<10112x128xf32, #tpu.memory_space<hbm>>, %arg3: memref<327680xi32, #tpu.memory_space<hbm>>, %arg4: memref<327680xi32, #tpu.memory_space<hbm>>, %arg5: memref<632x128xf32, #tpu.memory_space<hbm>>, %arg6: memref<2x10112x128xf32, #tpu.memory_space<hbm>>, %arg7: memref<128xi32, #tpu.memory_space<vmem>>, %arg8: memref<128xi32, #tpu.memory_space<vmem>>, %arg9: memref<128x128xf32, #tpu.memory_space<vmem>>, %arg10: memref<10112x128xf32, #tpu.memory_space<vmem_shared>>, %arg11: memref<!tpu.dma_semaphore, #tpu.memory_space<semaphore_mem>>) attributes {dimension_semantics = [#tpu.dimension_semantics<core_parallel>, #tpu.dimension_semantics<subcore_parallel>], iteration_bounds = array<i64: 2, 16>, scalar_prefetch = 0 : i64, scratch_operands = 5 : i64, tpu.core_type = #tpu.core_type<sc_vector_subcore>, window_params = [{transform_indices = #map}, {transform_indices = #map1}, {transform_indices = #map1}, {transform_indices = #map}, {transform_indices = #map2}]} {
    %mul3A = arith.constant 2 : i32
    %mul3A_0 = arith.muli %arg1, %mul3A : i32
    %add3A = arith.addi %mul3A_0, %arg0 : i32
    %mul3A_1 = arith.constant 632 : i32
    %mul3A_2 = arith.muli %arg1, %mul3A_1 : i32
    "tpu.region"() ({
      %run_scoped3A = tpu.sem_alloc : memref<!tpu.dma_semaphore, #tpu.memory_space<semaphore_mem>>
      %dma_start3A = arith.constant 0 : i32
      %dma_start3A_13 = tpu.memref_slice %arg10[%mul3A_2, %dma_start3A] : memref<10112x128xf32, #tpu.memory_space<vmem_shared>> -> memref<632x128xf32, #tpu.memory_space<vmem_shared>>
      tpu.enqueue_dma source(%arg5 : memref<632x128xf32, #tpu.memory_space<hbm>>) target(%dma_start3A_13 : memref<632x128xf32, #tpu.memory_space<vmem_shared>>) target_semaphore(%run_scoped3A : memref<!tpu.dma_semaphore, #tpu.memory_space<semaphore_mem>>)
      %dma_wait3A = arith.constant 0 : i32
      %dma_wait3A_14 = tpu.memref_slice %arg10[%mul3A_2, %dma_wait3A] : memref<10112x128xf32, #tpu.memory_space<vmem_shared>> -> memref<632x128xf32, #tpu.memory_space<vmem_shared>>
      tpu.wait_dma2 semaphore(%run_scoped3A : memref<!tpu.dma_semaphore, #tpu.memory_space<semaphore_mem>>) src(%arg5 : memref<632x128xf32, #tpu.memory_space<hbm>>) dst(%dma_wait3A_14 : memref<632x128xf32, #tpu.memory_space<vmem_shared>>)
      tpu.yield
    }) : () -> ()
    %barrier3A = arith.constant 0 : index
    tpu.barrier barrier_id(%barrier3A)
    %scan3A = arith.constant 0 : i32
    %scan3A_3 = arith.constant 0 : i32
    %scan3A_4 = arith.constant 80 : i32
    %scan3A_5 = arith.addi %scan3A_3, %scan3A_4 : i32
    %scan3A_6 = arith.constant 1 : i32
    scf.for %scan3A_13 = %scan3A_3 to %scan3A_5 step %scan3A_6  : i32 {
      %mul3A_14 = arith.constant 10240 : i32
      %mul3A_15 = arith.muli %add3A, %mul3A_14 : i32
      %mul3A_16 = arith.constant 128 : i32
      %mul3A_17 = arith.muli %scan3A_13, %mul3A_16 : i32
      %add3A_18 = arith.addi %mul3A_15, %mul3A_17 : i32
      "tpu.region"() ({
        %run_scoped3A = tpu.sem_alloc : memref<!tpu.dma_semaphore, #tpu.memory_space<semaphore_mem>>
        %dma_start3A_23 = tpu.memref_slice %arg3[%add3A_18] : memref<327680xi32, #tpu.memory_space<hbm>> -> memref<128xi32, #tpu.memory_space<hbm>>
        %dma_start3A_24 = tpu.memref_slice %arg3[%add3A_18] : memref<327680xi32, #tpu.memory_space<hbm>> -> memref<128xi32, #tpu.memory_space<hbm>>
        tpu.enqueue_dma source(%dma_start3A_24 : memref<128xi32, #tpu.memory_space<hbm>>) target(%arg7 : memref<128xi32, #tpu.memory_space<vmem>>) target_semaphore(%run_scoped3A : memref<!tpu.dma_semaphore, #tpu.memory_space<semaphore_mem>>)
        %dma_wait3A_25 = tpu.memref_slice %arg3[%add3A_18] : memref<327680xi32, #tpu.memory_space<hbm>> -> memref<128xi32, #tpu.memory_space<hbm>>
        %dma_wait3A_26 = tpu.memref_slice %arg3[%add3A_18] : memref<327680xi32, #tpu.memory_space<hbm>> -> memref<128xi32, #tpu.memory_space<hbm>>
        tpu.wait_dma2 semaphore(%run_scoped3A : memref<!tpu.dma_semaphore, #tpu.memory_space<semaphore_mem>>) src(%dma_wait3A_26 : memref<128xi32, #tpu.memory_space<hbm>>) dst(%arg7 : memref<128xi32, #tpu.memory_space<vmem>>)
        tpu.yield
      }) : () -> ()
      "tpu.region"() ({
        %run_scoped3A = tpu.sem_alloc : memref<!tpu.dma_semaphore, #tpu.memory_space<semaphore_mem>>
        %dma_start3A_23 = tpu.memref_slice %arg4[%add3A_18] : memref<327680xi32, #tpu.memory_space<hbm>> -> memref<128xi32, #tpu.memory_space<hbm>>
        %dma_start3A_24 = tpu.memref_slice %arg4[%add3A_18] : memref<327680xi32, #tpu.memory_space<hbm>> -> memref<128xi32, #tpu.memory_space<hbm>>
        tpu.enqueue_dma source(%dma_start3A_24 : memref<128xi32, #tpu.memory_space<hbm>>) target(%arg8 : memref<128xi32, #tpu.memory_space<vmem>>) target_semaphore(%run_scoped3A : memref<!tpu.dma_semaphore, #tpu.memory_space<semaphore_mem>>)
        %dma_wait3A_25 = tpu.memref_slice %arg4[%add3A_18] : memref<327680xi32, #tpu.memory_space<hbm>> -> memref<128xi32, #tpu.memory_space<hbm>>
        %dma_wait3A_26 = tpu.memref_slice %arg4[%add3A_18] : memref<327680xi32, #tpu.memory_space<hbm>> -> memref<128xi32, #tpu.memory_space<hbm>>
        tpu.wait_dma2 semaphore(%run_scoped3A : memref<!tpu.dma_semaphore, #tpu.memory_space<semaphore_mem>>) src(%dma_wait3A_26 : memref<128xi32, #tpu.memory_space<hbm>>) dst(%arg8 : memref<128xi32, #tpu.memory_space<vmem>>)
        tpu.yield
      }) : () -> ()
      %dma_start3A = arith.constant 0 : i32
      %dma_start3A_19 = arith.constant 0 : i32
      %dma_start3A_20 = tpu.memref_slice %arg2[%dma_start3A, %dma_start3A_19] : memref<10112x128xf32, #tpu.memory_space<hbm>> -> memref<10112x128xf32, #tpu.memory_space<hbm>>
      tpu.enqueue_indirect_dma source(%dma_start3A_20 : memref<10112x128xf32, #tpu.memory_space<hbm>>) target(%arg9 : memref<128x128xf32, #tpu.memory_space<vmem>>) offsets(%arg7 : memref<128xi32, #tpu.memory_space<vmem>>) semaphore(%arg11 : memref<!tpu.dma_semaphore, #tpu.memory_space<semaphore_mem>>)
      %dma_wait3A = arith.constant 0 : i32
      %dma_wait3A_21 = arith.constant 0 : i32
      %dma_wait3A_22 = tpu.memref_slice %arg2[%dma_wait3A, %dma_wait3A_21] : memref<10112x128xf32, #tpu.memory_space<hbm>> -> memref<10112x128xf32, #tpu.memory_space<hbm>>
      tpu.wait_indirect_dma semaphore(%arg11 : memref<!tpu.dma_semaphore, #tpu.memory_space<semaphore_mem>>) src(%dma_wait3A_22 : memref<10112x128xf32, #tpu.memory_space<hbm>>) dst(%arg9 : memref<128x128xf32, #tpu.memory_space<vmem>>)
      "tpu.region"() ({
        %run_scoped3A = tpu.sem_alloc : memref<!tpu.dma_semaphore, #tpu.memory_space<semaphore_mem>>
        %dma_start3A_23 = arith.constant 0 : i32
        %dma_start3A_24 = arith.constant 0 : i32
        %dma_start3A_25 = tpu.memref_slice %arg10[%dma_start3A_23, %dma_start3A_24] : memref<10112x128xf32, #tpu.memory_space<vmem_shared>> -> memref<10112x128xf32, #tpu.memory_space<vmem_shared>>
        tpu.enqueue_indirect_dma source(%arg9 : memref<128x128xf32, #tpu.memory_space<vmem>>) target(%dma_start3A_25 : memref<10112x128xf32, #tpu.memory_space<vmem_shared>>) offsets(%arg8 : memref<128xi32, #tpu.memory_space<vmem>>) semaphore(%run_scoped3A : memref<!tpu.dma_semaphore, #tpu.memory_space<semaphore_mem>>) {add = true}
        %dma_wait3A_26 = arith.constant 0 : i32
        %dma_wait3A_27 = arith.constant 0 : i32
        %dma_wait3A_28 = tpu.memref_slice %arg10[%dma_wait3A_26, %dma_wait3A_27] : memref<10112x128xf32, #tpu.memory_space<vmem_shared>> -> memref<10112x128xf32, #tpu.memory_space<vmem_shared>>
        tpu.wait_indirect_dma semaphore(%run_scoped3A : memref<!tpu.dma_semaphore, #tpu.memory_space<semaphore_mem>>) src(%arg9 : memref<128x128xf32, #tpu.memory_space<vmem>>) dst(%dma_wait3A_28 : memref<10112x128xf32, #tpu.memory_space<vmem_shared>>)
        tpu.yield
      }) : () -> ()
    }
    %scan3A_7 = arith.constant 80 : i32
    %barrier3A_8 = arith.constant 0 : index
    tpu.barrier barrier_id(%barrier3A_8)
    %mul3A_9 = arith.constant 632 : i32
    %mul3A_10 = arith.muli %arg1, %mul3A_9 : i32
    %mul3A_11 = arith.constant 632 : i32
    %mul3A_12 = arith.muli %arg1, %mul3A_11 : i32
    "tpu.region"() ({
      %run_scoped3A = tpu.sem_alloc : memref<!tpu.dma_semaphore, #tpu.memory_space<semaphore_mem>>
      %dma_start3A = arith.constant 0 : i32
      %dma_start3A_13 = tpu.memref_slice %arg6[%arg0, %mul3A_12, %dma_start3A] : memref<2x10112x128xf32, #tpu.memory_space<hbm>> -> memref<1x632x128xf32, #tpu.memory_space<hbm>>
      %dma_start3A_14 = tpu.memref_squeeze %dma_start3A_13 : memref<1x632x128xf32, #tpu.memory_space<hbm>> -> memref<632x128xf32, #tpu.memory_space<hbm>>
      %dma_start3A_15 = arith.constant 0 : i32
      %dma_start3A_16 = tpu.memref_slice %arg10[%mul3A_10, %dma_start3A_15] : memref<10112x128xf32, #tpu.memory_space<vmem_shared>> -> memref<632x128xf32, #tpu.memory_space<vmem_shared>>
      tpu.enqueue_dma source(%dma_start3A_16 : memref<632x128xf32, #tpu.memory_space<vmem_shared>>) target(%dma_start3A_14 : memref<632x128xf32, #tpu.memory_space<hbm>>) target_semaphore(%run_scoped3A : memref<!tpu.dma_semaphore, #tpu.memory_space<semaphore_mem>>)
      %dma_wait3A = arith.constant 0 : i32
      %dma_wait3A_17 = tpu.memref_slice %arg6[%arg0, %mul3A_12, %dma_wait3A] : memref<2x10112x128xf32, #tpu.memory_space<hbm>> -> memref<1x632x128xf32, #tpu.memory_space<hbm>>
      %dma_wait3A_18 = tpu.memref_squeeze %dma_wait3A_17 : memref<1x632x128xf32, #tpu.memory_space<hbm>> -> memref<632x128xf32, #tpu.memory_space<hbm>>
      %dma_wait3A_19 = arith.constant 0 : i32
      %dma_wait3A_20 = tpu.memref_slice %arg10[%mul3A_10, %dma_wait3A_19] : memref<10112x128xf32, #tpu.memory_space<vmem_shared>> -> memref<632x128xf32, #tpu.memory_space<vmem_shared>>
      tpu.wait_dma2 semaphore(%run_scoped3A : memref<!tpu.dma_semaphore, #tpu.memory_space<semaphore_mem>>) src(%dma_wait3A_20 : memref<632x128xf32, #tpu.memory_space<vmem_shared>>) dst(%dma_wait3A_18 : memref<632x128xf32, #tpu.memory_space<hbm>>)
      tpu.yield
    }) : () -> ()
    return
  }
}

module attributes {stable_mosaic.version = 14 : i64} {
  func.func @_tc1_body(%arg0: i32, %arg1: memref<128x128xf32, #tpu.memory_space<vmem>>, %arg2: memref<128x128xf32, #tpu.memory_space<vmem>>, %arg3: memref<128x1xf32, #tpu.memory_space<vmem>>, %arg4: memref<128x128xf32, #tpu.memory_space<vmem>>) attributes {dimension_semantics = [#tpu.dimension_semantics<arbitrary>], iteration_bounds = array<i64: 79>, scalar_prefetch = 0 : i64, scratch_operands = 0 : i64, tpu.core_type = #tpu.core_type<tc>, window_params = [{transform_indices = @transform_0, window_bounds = array<i64: 128, 128>}, {pipeline_mode = #tpu.pipeline_mode<synchronous>, transform_indices = @transform_1, window_bounds = array<i64: 128, 128>}, {transform_indices = @transform_2, window_bounds = array<i64: 128, 1>}, {transform_indices = @transform_3, window_bounds = array<i64: 128, 128>}]} {
    %get3A = arith.constant 0 : index
    %get3A_0 = arith.constant 0 : index
    %get3A_1 = vector.load %arg1[%get3A, %get3A_0] : memref<128x128xf32, #tpu.memory_space<vmem>>, vector<128x128xf32>
    %get3A_2 = arith.constant 0 : index
    %get3A_3 = arith.constant 0 : index
    %get3A_4 = vector.load %arg2[%get3A_2, %get3A_3] : memref<128x128xf32, #tpu.memory_space<vmem>>, vector<128x128xf32>
    %dot_general3A = arith.constant dense<0.000000e+00> : vector<128x128xf32>
    %dot_general3A_5 = tpu.matmul %get3A_1, %get3A_4, %dot_general3A {dimension_numbers = #tpu.dot_dimension_numbers<[1], [0], [0], [1], [0, 0, 1, 1], [], []>, precision = #tpu.contract_precision<fp32>, transpose_lhs_hint = false} : vector<128x128xf32>, vector<128x128xf32>, vector<128x128xf32> -> vector<128x128xf32>
    %get3A_6 = arith.constant 0 : index
    %get3A_7 = arith.constant 0 : index
    %get3A_8 = vector.load %arg3[%get3A_6, %get3A_7] : memref<128x1xf32, #tpu.memory_space<vmem>>, vector<128x1xf32>
    %mul3A = vector.broadcast %get3A_8 : vector<128x1xf32> to vector<128x128xf32>
    %mul3A_9 = arith.mulf %dot_general3A_5, %mul3A : vector<128x128xf32>
    %swap3A = arith.constant 0 : index
    %swap3A_10 = arith.constant 0 : index
    %swap3A_11 = vector.load %arg4[%swap3A, %swap3A_10] : memref<128x128xf32, #tpu.memory_space<vmem>>, vector<128x128xf32>
    tpu.vector_store %arg4[%swap3A, %swap3A_10], %mul3A_9 {strides = array<i32>} : memref<128x128xf32, #tpu.memory_space<vmem>>, vector<128x128xf32>,
    return
  }
  func.func @transform_0(%arg0: i32) -> (i32, i32) {
    %c0_i32 = arith.constant 0 : i32
    %c0_i32_0 = arith.constant 0 : i32
    return %arg0, %c0_i32 : i32, i32
  }
  func.func @transform_1(%arg0: i32) -> (i32, i32) {
    %c0_i32 = arith.constant 0 : i32
    %c0_i32_0 = arith.constant 0 : i32
    %c0_i32_1 = arith.constant 0 : i32
    return %c0_i32, %c0_i32_0 : i32, i32
  }
  func.func @transform_2(%arg0: i32) -> (i32, i32) {
    %c0_i32 = arith.constant 0 : i32
    %c0_i32_0 = arith.constant 0 : i32
    return %arg0, %c0_i32 : i32, i32
  }
  func.func @transform_3(%arg0: i32) -> (i32, i32) {
    %c0_i32 = arith.constant 0 : i32
    %c0_i32_0 = arith.constant 0 : i32
    return %arg0, %c0_i32 : i32, i32
  }
}

module attributes {stable_mosaic.version = 14 : i64} {
  func.func @_tc2_body(%arg0: i32, %arg1: memref<128x128xf32, #tpu.memory_space<vmem>>, %arg2: memref<128x128xf32, #tpu.memory_space<vmem>>, %arg3: memref<128x128xf32, #tpu.memory_space<vmem>>, %arg4: memref<128x1xf32, #tpu.memory_space<vmem>>, %arg5: memref<1x128xf32, #tpu.memory_space<vmem>>, %arg6: memref<128x128xf32, #tpu.memory_space<vmem>>, %arg7: memref<128x128xf32, #tpu.memory_space<vmem>>) attributes {dimension_semantics = [#tpu.dimension_semantics<arbitrary>], iteration_bounds = array<i64: 79>, scalar_prefetch = 0 : i64, scratch_operands = 0 : i64, tpu.core_type = #tpu.core_type<tc>, window_params = [{transform_indices = @transform_0, window_bounds = array<i64: 128, 128>}, {transform_indices = @transform_1, window_bounds = array<i64: 128, 128>}, {transform_indices = @transform_2, window_bounds = array<i64: 128, 128>}, {transform_indices = @transform_3, window_bounds = array<i64: 128, 1>}, {pipeline_mode = #tpu.pipeline_mode<synchronous>, transform_indices = @transform_4, window_bounds = array<i64: 1, 128>}, {pipeline_mode = #tpu.pipeline_mode<synchronous>, transform_indices = @transform_5, window_bounds = array<i64: 128, 128>}, {transform_indices = @transform_6, window_bounds = array<i64: 128, 128>}]} {
    %get3A = arith.constant 0 : index
    %get3A_0 = arith.constant 0 : index
    %get3A_1 = vector.load %arg1[%get3A, %get3A_0] : memref<128x128xf32, #tpu.memory_space<vmem>>, vector<128x128xf32>
    %get3A_2 = arith.constant 0 : index
    %get3A_3 = arith.constant 0 : index
    %get3A_4 = vector.load %arg2[%get3A_2, %get3A_3] : memref<128x128xf32, #tpu.memory_space<vmem>>, vector<128x128xf32>
    %add3A = arith.addf %get3A_1, %get3A_4 : vector<128x128xf32>
    %get3A_5 = arith.constant 0 : index
    %get3A_6 = arith.constant 0 : index
    %get3A_7 = vector.load %arg3[%get3A_5, %get3A_6] : memref<128x128xf32, #tpu.memory_space<vmem>>, vector<128x128xf32>
    %add3A_8 = arith.addf %add3A, %get3A_7 : vector<128x128xf32>
    %get3A_9 = arith.constant 0 : index
    %get3A_10 = arith.constant 0 : index
    %get3A_11 = vector.load %arg4[%get3A_9, %get3A_10] : memref<128x1xf32, #tpu.memory_space<vmem>>, vector<128x1xf32>
    %mul3A = vector.broadcast %get3A_11 : vector<128x1xf32> to vector<128x128xf32>
    %mul3A_12 = arith.mulf %add3A_8, %mul3A : vector<128x128xf32>
    %get3A_13 = arith.constant 0 : index
    %get3A_14 = arith.constant 0 : index
    %get3A_15 = vector.load %arg5[%get3A_13, %get3A_14] : memref<1x128xf32, #tpu.memory_space<vmem>>, vector<1x128xf32>
    %add3A_16 = vector.broadcast %get3A_15 : vector<1x128xf32> to vector<128x128xf32>
    %add3A_17 = arith.addf %mul3A_12, %add3A_16 : vector<128x128xf32>
    %max3A = arith.constant 0.000000e+00 : f32
    %max3A_18 = vector.broadcast %max3A : f32 to vector<128x128xf32>
    %max3A_19 = arith.maximumf %add3A_17, %max3A_18 : vector<128x128xf32>
    %get3A_20 = arith.constant 0 : index
    %get3A_21 = arith.constant 0 : index
    %get3A_22 = vector.load %arg6[%get3A_20, %get3A_21] : memref<128x128xf32, #tpu.memory_space<vmem>>, vector<128x128xf32>
    %dot_general3A = arith.constant dense<0.000000e+00> : vector<128x128xf32>
    %dot_general3A_23 = tpu.matmul %max3A_19, %get3A_22, %dot_general3A {dimension_numbers = #tpu.dot_dimension_numbers<[1], [0], [0], [1], [0, 0, 1, 1], [], []>, precision = #tpu.contract_precision<fp32>, transpose_lhs_hint = false} : vector<128x128xf32>, vector<128x128xf32>, vector<128x128xf32> -> vector<128x128xf32>
    %get3A_24 = arith.constant 0 : index
    %get3A_25 = arith.constant 0 : index
    %get3A_26 = vector.load %arg4[%get3A_24, %get3A_25] : memref<128x1xf32, #tpu.memory_space<vmem>>, vector<128x1xf32>
    %mul3A_27 = vector.broadcast %get3A_26 : vector<128x1xf32> to vector<128x128xf32>
    %mul3A_28 = arith.mulf %dot_general3A_23, %mul3A_27 : vector<128x128xf32>
    %swap3A = arith.constant 0 : index
    %swap3A_29 = arith.constant 0 : index
    %swap3A_30 = vector.load %arg7[%swap3A, %swap3A_29] : memref<128x128xf32, #tpu.memory_space<vmem>>, vector<128x128xf32>
    tpu.vector_store %arg7[%swap3A, %swap3A_29], %mul3A_28 {strides = array<i32>} : memref<128x128xf32, #tpu.memory_space<vmem>>, vector<128x128xf32>,
    return
  }
  func.func @transform_0(%arg0: i32) -> (i32, i32) {
    %c0_i32 = arith.constant 0 : i32
    %c0_i32_0 = arith.constant 0 : i32
    return %arg0, %c0_i32 : i32, i32
  }
  func.func @transform_1(%arg0: i32) -> (i32, i32) {
    %c0_i32 = arith.constant 0 : i32
    %c0_i32_0 = arith.constant 0 : i32
    return %arg0, %c0_i32 : i32, i32
  }
  func.func @transform_2(%arg0: i32) -> (i32, i32) {
    %c0_i32 = arith.constant 0 : i32
    %c0_i32_0 = arith.constant 0 : i32
    return %arg0, %c0_i32 : i32, i32
  }
  func.func @transform_3(%arg0: i32) -> (i32, i32) {
    %c0_i32 = arith.constant 0 : i32
    %c0_i32_0 = arith.constant 0 : i32
    return %arg0, %c0_i32 : i32, i32
  }
  func.func @transform_4(%arg0: i32) -> (i32, i32) {
    %c0_i32 = arith.constant 0 : i32
    %c0_i32_0 = arith.constant 0 : i32
    %c0_i32_1 = arith.constant 0 : i32
    return %c0_i32, %c0_i32_0 : i32, i32
  }
  func.func @transform_5(%arg0: i32) -> (i32, i32) {
    %c0_i32 = arith.constant 0 : i32
    %c0_i32_0 = arith.constant 0 : i32
    %c0_i32_1 = arith.constant 0 : i32
    return %c0_i32, %c0_i32_0 : i32, i32
  }
  func.func @transform_6(%arg0: i32) -> (i32, i32) {
    %c0_i32 = arith.constant 0 : i32
    %c0_i32_0 = arith.constant 0 : i32
    return %arg0, %c0_i32 : i32, i32
  }
}

module attributes {stable_mosaic.version = 14 : i64} {
  func.func @_tc3_body(%arg0: i32, %arg1: memref<128x128xf32, #tpu.memory_space<vmem>>, %arg2: memref<128x128xf32, #tpu.memory_space<vmem>>, %arg3: memref<128x128xf32, #tpu.memory_space<vmem>>, %arg4: memref<128x1xf32, #tpu.memory_space<vmem>>, %arg5: memref<1x128xf32, #tpu.memory_space<vmem>>, %arg6: memref<128x128xf32, #tpu.memory_space<vmem>>, %arg7: memref<128x128xf32, #tpu.memory_space<vmem>>) attributes {dimension_semantics = [#tpu.dimension_semantics<arbitrary>], iteration_bounds = array<i64: 79>, scalar_prefetch = 0 : i64, scratch_operands = 0 : i64, tpu.core_type = #tpu.core_type<tc>, window_params = [{transform_indices = @transform_0, window_bounds = array<i64: 128, 128>}, {transform_indices = @transform_1, window_bounds = array<i64: 128, 128>}, {transform_indices = @transform_2, window_bounds = array<i64: 128, 128>}, {transform_indices = @transform_3, window_bounds = array<i64: 128, 1>}, {pipeline_mode = #tpu.pipeline_mode<synchronous>, transform_indices = @transform_4, window_bounds = array<i64: 1, 128>}, {transform_indices = @transform_5, window_bounds = array<i64: 128, 128>}, {transform_indices = @transform_6, window_bounds = array<i64: 128, 128>}]} {
    %get3A = arith.constant 0 : index
    %get3A_0 = arith.constant 0 : index
    %get3A_1 = vector.load %arg1[%get3A, %get3A_0] : memref<128x128xf32, #tpu.memory_space<vmem>>, vector<128x128xf32>
    %get3A_2 = arith.constant 0 : index
    %get3A_3 = arith.constant 0 : index
    %get3A_4 = vector.load %arg2[%get3A_2, %get3A_3] : memref<128x128xf32, #tpu.memory_space<vmem>>, vector<128x128xf32>
    %add3A = arith.addf %get3A_1, %get3A_4 : vector<128x128xf32>
    %get3A_5 = arith.constant 0 : index
    %get3A_6 = arith.constant 0 : index
    %get3A_7 = vector.load %arg3[%get3A_5, %get3A_6] : memref<128x128xf32, #tpu.memory_space<vmem>>, vector<128x128xf32>
    %add3A_8 = arith.addf %add3A, %get3A_7 : vector<128x128xf32>
    %get3A_9 = arith.constant 0 : index
    %get3A_10 = arith.constant 0 : index
    %get3A_11 = vector.load %arg4[%get3A_9, %get3A_10] : memref<128x1xf32, #tpu.memory_space<vmem>>, vector<128x1xf32>
    %mul3A = vector.broadcast %get3A_11 : vector<128x1xf32> to vector<128x128xf32>
    %mul3A_12 = arith.mulf %add3A_8, %mul3A : vector<128x128xf32>
    %get3A_13 = arith.constant 0 : index
    %get3A_14 = arith.constant 0 : index
    %get3A_15 = vector.load %arg5[%get3A_13, %get3A_14] : memref<1x128xf32, #tpu.memory_space<vmem>>, vector<1x128xf32>
    %add3A_16 = vector.broadcast %get3A_15 : vector<1x128xf32> to vector<128x128xf32>
    %add3A_17 = arith.addf %mul3A_12, %add3A_16 : vector<128x128xf32>
    %max3A = arith.constant 0.000000e+00 : f32
    %max3A_18 = vector.broadcast %max3A : f32 to vector<128x128xf32>
    %max3A_19 = arith.maximumf %add3A_17, %max3A_18 : vector<128x128xf32>
    %get3A_20 = arith.constant 0 : index
    %get3A_21 = arith.constant 0 : index
    %get3A_22 = vector.load %arg6[%get3A_20, %get3A_21] : memref<128x128xf32, #tpu.memory_space<vmem>>, vector<128x128xf32>
    %add3A_23 = arith.addf %max3A_19, %get3A_22 : vector<128x128xf32>
    %swap3A = arith.constant 0 : index
    %swap3A_24 = arith.constant 0 : index
    %swap3A_25 = vector.load %arg7[%swap3A, %swap3A_24] : memref<128x128xf32, #tpu.memory_space<vmem>>, vector<128x128xf32>
    tpu.vector_store %arg7[%swap3A, %swap3A_24], %add3A_23 {strides = array<i32>} : memref<128x128xf32, #tpu.memory_space<vmem>>, vector<128x128xf32>,
    return
  }
  func.func @transform_0(%arg0: i32) -> (i32, i32) {
    %c0_i32 = arith.constant 0 : i32
    %c0_i32_0 = arith.constant 0 : i32
    return %arg0, %c0_i32 : i32, i32
  }
  func.func @transform_1(%arg0: i32) -> (i32, i32) {
    %c0_i32 = arith.constant 0 : i32
    %c0_i32_0 = arith.constant 0 : i32
    return %arg0, %c0_i32 : i32, i32
  }
  func.func @transform_2(%arg0: i32) -> (i32, i32) {
    %c0_i32 = arith.constant 0 : i32
    %c0_i32_0 = arith.constant 0 : i32
    return %arg0, %c0_i32 : i32, i32
  }
  func.func @transform_3(%arg0: i32) -> (i32, i32) {
    %c0_i32 = arith.constant 0 : i32
    %c0_i32_0 = arith.constant 0 : i32
    return %arg0, %c0_i32 : i32, i32
  }
  func.func @transform_4(%arg0: i32) -> (i32, i32) {
    %c0_i32 = arith.constant 0 : i32
    %c0_i32_0 = arith.constant 0 : i32
    %c0_i32_1 = arith.constant 0 : i32
    return %c0_i32, %c0_i32_0 : i32, i32
  }
  func.func @transform_5(%arg0: i32) -> (i32, i32) {
    %c0_i32 = arith.constant 0 : i32
    %c0_i32_0 = arith.constant 0 : i32
    return %arg0, %c0_i32 : i32, i32
  }
  func.func @transform_6(%arg0: i32) -> (i32, i32) {
    %c0_i32 = arith.constant 0 : i32
    %c0_i32_0 = arith.constant 0 : i32
    return %arg0, %c0_i32 : i32, i32
  }
}

</mosaic_0001>

<sc_bundles>
// kernel: kernel.11.cloned.1.call-start
scs
__scs_entry_jumppad:
0x0: {  	(pc) =	sbr.rel $0x88, $3  }
0x1: {  	(tag) =	ssettag $0x0;
	lr =	simm.s32 $0x1  }
0x2: {  	[smem:$0x3F9B] =	sst lr;
	_ =	strace $0xD0000000  }
0x3: {  	_ = 	snop  }
0x4: {  	_ = 	snop  }
0x5: {  	_ = 	snop  }
0x6: {  	_ = 	snop  }
0x7: {  	_ = 	snop  }
__scs_overlays_trampoline_lowered:
0x8: {  	[smem:$0x3FAA] =	sst s0  }
0x9: {  	[smem:$0x3FAB] =	sst s1  }
0xa: {  	[smem:$0x3FAC] =	sst s2  }
0xb: {  	[smem:$0x3FAD] =	sst s3  }
0xc: {  	[smem:$0x3FAE] =	sst s4  }
0xd: {  	[smem:$0x3FAF] =	sst s5  }
0xe: {  	[smem:$0x3FB0] =	sst s6  }
0xf: {  	[smem:$0x3FB1] =	sst s7  }
0x10: {  	[smem:$0x3FB2] =	sst s8  }
0x11: {  	[smem:$0x3FB3] =	sst s9;
	s0 =	simm.s32 @!p0 $0x0  }
0x12: {  	s1 =	sld [smem:$0x3F99];
	s0 =	simm.s32 @p0 $0x1  }
0x13: {  	[smem:$0x3FB4] =	sst s0;
	s0 =	simm.s32 @!p1 $0x0  }
0x14: {  	s2 =	sld [smem:$0x3F98];
	s0 =	simm.s32 @p1 $0x1  }
0x15: {  	[smem:$0x3FB5] =	sst s0;
	s0 =	simm.s32 @!p2 $0x0  }
0x16: {  	s3 =	sld [smem:$0x3FDB];
	s0 =	simm.s32 @p2 $0x1  }
0x17: {  	s4 =	simm.s32 $0x1BF5;
	[smem:$0x3FB7] =	sst s0  }
0x18: {  	s0 =	sld [smem:$0x3F9A];
	_ =	swait.ge [sflag:s4], $0x0  }
0x19: {  	s7 =	sld [smem:$0x3F9B]  }
0x1a: {  	s8 =	sadd.s32 $0xFFFFE003, lr  }
0x1b: {  	s9 =	sadd.s32 $0xFFFFFEF7, lr;
	s5 =	simm.s32 $0xFFFFFFFF;
	p2 =	slt.u32 s8, $0xFFFFF086  }
0x1c: {  	p1 =	slt.u32 s9, $0xF7A;
	s5 =	simm.s32 @!p2 $0x0  }
0x1d: {  	s5 =	simm.s32 @p1 $0x1;
	p0 =	seq.s32 s7, s2  }
0x1e: {  	s7 =	smul.u32 @!p0 $0xF7A, s2;
	p2 =	seq.s32 @!p0 s5, $0x0  }
0x1f: {  	s9 =	smul.u32 $0xF7A, s1;
	s8 =	simm.s32 @!p0 $0x1BF5;
	p2 =	por !p2, p0  }
0x20: {  	[sflag:s8] =	ssyncset.s32 @!p0 $0xFFFFF086;
	s6 =	sadd.s32 @!p0 s3, s7;
	s7 =	simm.s32 @!p0 $0x108  }
0x21: {  	s3 =	sadd.s32 s3, s9;
	s6 =	sadd.s32 @!p0 $0x88, s6;
	s7 =	simm.s32 @p2 $0x1082  }
0x22: {  	[simem:s7], [sflag:s8] =	dma.local @!p0 [hbm:s6], $0xF7A  }
0x23: {  	s9 =	sor.u32 $0xD0000000, s2;
	s6 =	simm.s32 $0x108;
	_ =	swait.ge @!p0 [sflag:s8], $0x0  }
0x24: {  	s3 =	sadd.s32 $0x88, s3;
	s6 =	simm.s32 @!p1 $0x1082;
	[sflag:s4] =	ssyncset.s32 $0xFFFFF086  }
0x25: {  	[simem:s6], [sflag:s4] =	dma.local [hbm:s3], $0xF7A  }
0x26: {  	[smem:$0x3F9B] =	sst s1;
	(tag) =	ssettag s2;
	_ =	strace s9  }
0x27: {  	s1 =	sld [smem:$0x3FAB]  }
0x28: {  	s2 =	sld [smem:$0x3FAC]  }
0x29: {  	s4 =	sld [smem:$0x3FAE]  }
0x2a: {  	p0 =	seq.s32 s5, $0x0;
	s5 =	sld [smem:$0x3FAF]  }
0x2b: {  	s6 =	sld [smem:$0x3FB0]  }
0x2c: {  	s7 =	sld [smem:$0x3FB1]  }
0x2d: {  	s3 =	simm.s32 $0x108;
	s8 =	sld [smem:$0x3FB2]  }
0x2e: {  	s3 =	simm.s32 @!p0 $0x1082;
	s9 =	sld [smem:$0x3FB3]  }
0x2f: {  	lr =	sadd.s32 s0, s3;
	s0 =	sld [smem:$0x3FAA]  }
0x30: {  	s3 =	sld [smem:$0x3FAD]  }
0x31: {  	[smem:$0x3FB6] =	sst s10  }
0x32: {  	s10 =	sld [smem:$0x3FB4];
	_ =	sdelay $0x3  }
0x33: {  	p0 =	seq.s32 s10, $0x1;
	s10 =	sld [smem:$0x3FB6];
	_ =	sdelay $0x3  }
0x34: {  	[smem:$0x3FB6] =	sst s10  }
0x35: {  	s10 =	sld [smem:$0x3FB5];
	_ =	sdelay $0x3  }
0x36: {  	p1 =	seq.s32 s10, $0x1;
	s10 =	sld [smem:$0x3FB6];
	_ =	sdelay $0x3  }
0x37: {  	[smem:$0x3FB6] =	sst s10  }
0x38: {  	s10 =	sld [smem:$0x3FB7]  }
0x39: {  	_ = 	snop;
	(pc) =	sbr.ind lr, $3  }
0x3a: {  	_ = 	snop  }
0x3b: {  	_ = 	snop  }
0x3c: {  	p2 =	seq.s32 s10, $0x1;
	s10 =	sld [smem:$0x3FB6]  }
0x3d: {  	_ =	shalt  }
0x3e: {  	_ =	shalt  }
0x3f: {  	_ =	shalt  }
0x40: {  	_ =	shalt  }
0x41: {  	_ =	shalt  }
0x42: {  	_ =	shalt  }
0x43: {  	_ =	shalt  }
0x44: {  	_ =	shalt  }
0x45: {  	_ =	shalt  }
0x46: {  	_ =	shalt  }
0x47: {  	_ =	shalt  }
0x48: {  	_ =	shalt  }
0x49: {  	_ =	shalt  }
0x4a: {  	_ =	shalt  }
0x4b: {  	_ =	shalt  }
0x4c: {  	_ =	shalt  }
0x4d: {  	_ =	shalt  }
0x4e: {  	_ =	shalt  }
0x4f: {  	_ =	shalt  }
0x50: {  	_ =	shalt  }
0x51: {  	_ =	shalt  }
0x52: {  	_ =	shalt  }
0x53: {  	_ =	shalt  }
0x54: {  	_ =	shalt  }
0x55: {  	_ =	shalt  }
0x56: {  	_ =	shalt  }
0x57: {  	_ =	shalt  }
0x58: {  	_ =	shalt  }
0x59: {  	_ =	shalt  }
0x5a: {  	_ =	shalt  }
0x5b: {  	_ =	shalt  }
0x5c: {  	_ =	shalt  }
0x5d: {  	_ =	shalt  }
0x5e: {  	_ =	shalt  }
0x5f: {  	_ =	shalt  }
0x60: {  	_ =	shalt  }
0x61: {  	_ =	shalt  }
0x62: {  	_ =	shalt  }
0x63: {  	_ =	shalt  }
0x64: {  	_ =	shalt  }
0x65: {  	_ =	shalt  }
0x66: {  	_ =	shalt  }
0x67: {  	_ =	shalt  }
0x68: {  	_ =	shalt  }
0x69: {  	_ =	shalt  }
0x6a: {  	_ =	shalt  }
0x6b: {  	_ =	shalt  }
0x6c: {  	_ =	shalt  }
0x6d: {  	_ =	shalt  }
0x6e: {  	_ =	shalt  }
0x6f: {  	_ =	shalt  }
0x70: {  	_ =	shalt  }
0x71: {  	_ =	shalt  }
0x72: {  	_ =	shalt  }
0x73: {  	_ =	shalt  }
0x74: {  	_ =	shalt  }
0x75: {  	_ =	shalt  }
0x76: {  	_ =	shalt  }
0x77: {  	_ =	shalt  }
0x78: {  	_ =	shalt  }
0x79: {  	_ =	shalt  }
0x7a: {  	_ =	shalt  }
0x7b: {  	_ =	shalt  }
0x7c: {  	_ =	shalt  }
0x7d: {  	_ =	shalt  }
0x7e: {  	_ =	shalt  }
0x7f: {  	_ =	shalt  }
0x80: {  	_ =	shalt  }
0x81: {  	_ =	shalt  }
0x82: {  	_ =	shalt  }
0x83: {  	_ =	shalt  }
0x84: {  	_ =	shalt  }
0x85: {  	_ =	shalt  }
0x86: {  	_ =	shalt  }
0x87: {  	_ =	shalt  }
.Lfunc_end0:
.L_simem_size_0:
called_computation.1_lowered:
.L_overlay_start_0:
0x88: {  	s2 =	sld [smem:$0x3FD9]  }
0x89: {  	s3 =	sld [smem:$0x3FFE];
	_ =	sdelay $0x1  }
0x8a: {  	s1 =	srdreg.scid  }
0x8b: {  	s0 =	sand.u32 $0x1, s1  }
0x8c: {  	s17 =	sshll.u32 s0, $0xA;
	s2 =	sadd.s32 s3, s2  }
0x8d: {  	s2 =	sadd.s32 s2, s17  }
0x8e: {  	[smem:$0x3FC2] =	sst s2  }
0x8f: {  	_ = 	snop  }
0x90: {  	s2 =	sld [smem:$0x3FD0];
	(tm) =	ssettm $0x1  }
0x91: {  	s18 =	sld [smem:$0x3FFB];
	_ =	sdelay $0x3  }
0x92: {  	_ =	strace s18  }
0x93: {  	s3 =	sld [smem:$0x3FFC];
	_ =	sdelay $0x3  }
0x94: {  	_ =	strace s3  }
0x95: {  	s3 =	sld [smem:$0x3FFD];
	_ =	sdelay $0x3  }
0x96: {  	_ =	strace s3  }
0x97: {  	_ =	strace $0x8FFFFFFF  }
0x98: {  	s19 =	sld [smem:$0x3FDB];
	_ =	sdelay $0x1  }
0x99: {  	s4 =	simm.s32 $_scs_section_size  }
0x9a: {  	s5 =	simm.s32 $_size__tile_overlayer_lowered;
	s6 =	simm.s32 $_tile_overlayer_lowered  }
0x9b: {  	s22 =	simm.s32 $0x1BFF;
	s21 =	sshll.u32 s6, $0x1;
	s3 =	sadd.s32 s4, s19  }
0x9c: {  	s7 =	simm.s32 $0x0;
	s20 =	sshll.u32 s5, $0x1;
	s5 =	sadd.s32 s21, s3  }
0x9d: {  	[timem:s7], [sflag:s22] =	dma.local [hbm:s5], s20  }
0x9e: {  	_ =	swait.ge [sflag:s22], s20  }
0x9f: {  	s4 =	ssub.s32 $0x0, s20;
	[sflag:s22] =	ssyncset.done $0x0  }
0xa0: {  	[sflag:s22] =	ssyncadd.s32 s4;
	_ =	sdelay $0x1  }
0xa1: {  	s23 =	simm.s32 $0x1B8B  }
0xa2: {  	_ =	swait.ge [sflag:s23], $0x1  }
0xa3: {  	[sflag:s23] =	ssyncset.done $0x0  }
0xa4: {  	s25 =	simm.s32 $0x1B8E;
	s24 =	sld [smem:$0x3FFE];
	[sflag:s23] =	ssyncadd.s32 $0xFFFFFFFF  }
0xa5: {  	s26 =	simm.s32 $execute0_lowered;
	[smem:$0x3FD2] =	sst s25  }
0xa6: {  	s5 =	sshll.u32 s26, $0x1;
	_ =	strace $0x80000049;
	[dreg:$0x1] =	wrdreg $0xFFFFFFFF  }
0xa7: {  	s28 =	simm.s32 $_size_execute0_lowered;
	s3 =	sadd.s32 s3, s5;
	[dreg:$0x0] =	wrdreg $0x0  }
0xa8: {  	s5 =	sshll.u32 s28, $0x1;
	[dreg:$0x2] =	wrdreg s3  }
0xa9: {  	[dreg:$0x3] =	wrdreg s5  }
0xaa: {  	[dreg:$0x4] =	wrdreg $0xC0  }
0xab: {  	_ =	task [dreg:s7], $0x5FFFF  }
0xac: {  	[dreg:$0x1] =	wrdreg $0xFFFFFFFF  }
0xad: {  	[dreg:$0x0] =	wrdreg $0x60  }
0xae: {  	[dreg:$0x2] =	wrdreg s24  }
0xaf: {  	[dreg:$0x3] =	wrdreg s2  }
0xb0: {  	[dreg:$0x4] =	wrdreg $0x41000  }
0xb1: {  	[dreg:$0x5] =	wrdreg $0x9  }
0xb2: {  	_ =	task.clear_ibuf [dreg:s7], $0x6FFFF;
	_ =	strace $0x90000049  }
0xb3: {  	s29 =	simm.s32 $0x9;
	_ =	strace $0x8000004B  }
0xb4: {  	_ =	swait.ge [sflag:s29], $0x1  }
0xb5: {  	[sflag:s29] =	ssyncadd.s32 $0xFFFFFFFF  }
0xb6: {  	_ =	strace $0x9000004B  }
0xb7: {  	_ =	sfence  }
0xb8: {  	s30 =	sld [smem:$0x0];
	_ =	sdelay $0x2  }
0xb9: {  	s31 =	sshll.u32 s1, $0xD;
	s1 =	sshrl.u32 s1, $0x2  }
0xba: {  	s3 =	sand.u32 $0x4000, s31;
	s1 =	sadd.s32 s1, s30  }
0xbb: {  	s0 =	sor.u32 s3, s0;
	s1 =	sshll.u32 s1, $0x11  }
0xbc: {  	s0 =	sor.u32 s1, s0  }
0xbd: {  	s0 =	sadd.s32 $0x8F2B, s0  }
0xbe: {  	[sflag:s0] =	ssyncadd.remote.s32 $0x1  }
0xbf: {  	_ =	sfence.sel $0xFFFF  }
0xc0: {  	[dreg:$0x0] =	wrdreg $0xFFFFFFFF;
	(pc) =	sbr.abs _section_cstart, $3  }
0xc1: {  	[dreg:$0x1] =	wrdreg $0xFFFFFFFF  }
0xc2: {  	_ =	task.clear_ibuf [dreg:s7], $0x2FFFF;
	_ =	strace $0x9FFFFFFF  }
0xc3: {  	(tm) =	ssettm $0x7FFFFFFF  }
tec
execute0_lowered:
.L_overlay_start_1:
0x0: {  	(tag) =	ssettag $0x1  }
0x1: {  	s6 =	rddreg [dreg:$0x0]  }
0x2: {  	s8 =	rddreg [dreg:$0x1]  }
0x3: {  	s0 =	stileid.u32;
	s1 =	srdreg.scid  }
0x4: {  	s2 =	rddreg [dreg:$0x2];
	s3 =	simm.s32 $0x0;
	s9 =	smul.u32 $0xA00, s0  }
0x5: {  	s7 =	sand.u32 $0x1, s1;
	s1 =	rddreg [dreg:$0x3];
	s10 =	smul.u32 $0x13C00, s0  }
0x6: {  	s16 =	simm.s32 $0x0;
	[smem:$0x7FF] =	sst s3;
	s13 =	smul.u32 $0x4F000, s0  }
0x7: {  	s4 =	sadd.s32 $0x5CA00, s6;
	s14 =	sshll.u32 s0, $0x6;
	s5 =	smul.u32 $0x13C000, s7  }
0x8: {  	_ =	strace $0x8000004A;
	s12 =	ssub.s32 $0x2, s7;
	s15 =	smul.u32 $0x500, s7  }
0x9: {  	s11 =	sadd.s32 s9, s6;
	s30 =	sshrl.u32 s12, $0x1;
	s13 =	sshrl.u32 s13, $0x2  }
0xa: {  	s9 =	sadd.s32 s9, s8;
	s5 =	sadd.s32 s10, s5;
	s12 =	ssub.s32 s12, s30  }
0xb: {  	s13 =	sadd.s32 s13, s2;
	s31 =	sadd.s32 s15, s11;
	s9 =	sadd.s32 s15, s9  }
0xc: {  	s15 =	simm.s32 $0x1;
	s10 =	sshrl.u32 s5, $0x3;
	s5 =	sadd.s32 $0x84200, s6  }
0xd: {  	s8 =	smax.u32 s12, $0x1;
	s11 =	sshrl.u32 s13, $0x3;
	s12 =	simm.s32 $0x2  }
0xe: {  	s13 =	simm.s32 $0x80;
	s10 =	sadd.s32 s10, s6;
	s6 =	sor.u32 $0x1C02, s14  }
0xf: {  	s14 =	simm.s32 $0x100;
	s7 =	sadd.s32 $0x86A00, s10;
	s10 =	sadd.s32 $0x3A00, s31  }
.LBB2_1:
0x10: {  	[spmem:s11], [sflag:s6] =	dma.local [hbm:s5], $0x2780  }
0x11: {  	_ =	swait.ge [sflag:s12], $0x2780  }
0x12: {  	[sflag:s12] =	ssyncset.done $0x0  }
0x13: {  	[sflag:s12] =	ssyncadd.s32 $0xFFFFD880  }
0x14: {  	s17 =	sadd.s32 $0x0, s10;
	[bflag:$0x0] =	sbarrier.arrive $0xFFFF  }
0x15: {  	[tilespmem:s3], [sflag:$0x2] =	stream.linear.gather [hbm4b:s17+s3], $0x80, $0x38;
	[tilespmem:$0x17D00] =	vst v63  }
0x16: {  	_ =	swait.ge [sflag:s12], $0x80  }
0x17: {  	[sflag:s12] =	ssyncset.done $0x0  }
0x18: {  	s31 =	sadd.s32 $0x0, s9;
	[sflag:s12] =	ssyncadd.s32 $0xFFFFFF80  }
0x19: {  	[tilespmem:s13], [sflag:$0x2] =	stream.linear.gather [hbm4b:s31+s3], $0x80, $0x38;
	[tilespmem:$0x17D00] =	vst v63  }
0x1a: {  	_ =	swait.ge [sflag:s12], $0x80  }
0x1b: {  	[sflag:s12] =	ssyncset.done $0x0  }
0x1c: {  	[sflag:s12] =	ssyncadd.s32 $0xFFFFFF80  }
0x1d: {  	[tilespmem:s14], [sflag:$0x1] =	stream.indirect.gather [hbm4b:s4+s13], $0x80, s3, s13, $0xb8;
	[tilespmem:$0x17D00] =	vst v63  }
0x1e: {  	_ =	swait.ge [sflag:s15], $0x4000  }
0x1f: {  	[sflag:s15] =	ssyncset.done $0x0  }
0x20: {  	[sflag:s15] =	ssyncadd.s32 $0xFFFFC000  }
0x21: {  	[spmem:s2] =	stream.indirect.scatter.add.f32 [tilespmem:s14], [sflag:$0x2], $0x80, s13, s13, $0xb8;
	[tilespmem:$0x17D00] =	vst v63  }
0x22: {  	_ =	swait.ge [sflag:s12], $0x4000  }
0x23: {  	s18 =	simm.s32 $0x20;
	s17 =	simm.s32 $0x10;
	[sflag:s12] =	ssyncset.done $0x0  }
.LBB2_2:
0x24: {  	s19 =	sadd.s32 s17, s10  }
0x25: {  	[sflag:s12] =	ssyncadd.s32 $0xFFFFC000;
	s20 =	smov.u32 s18;
	s21 =	sadd.s32 $0x10, s18  }
0x26: {  	[tilespmem:s3], [sflag:$0x2] =	stream.linear.gather [hbm4b:s19+s3], $0x80, $0x38;
	[tilespmem:$0x17D00] =	vst v63  }
0x27: {  	p0 =	sne.s32 s18, $0x4F0;
	_ =	swait.ge [sflag:s12], $0x80  }
0x28: {  	[sflag:s12] =	ssyncset.done $0x0  }
0x29: {  	s18 =	sadd.s32 s17, s9;
	s17 =	smov.u32 s20;
	[sflag:s12] =	ssyncadd.s32 $0xFFFFFF80  }
0x2a: {  	[tilespmem:s13], [sflag:$0x2] =	stream.linear.gather [hbm4b:s18+s3], $0x80, $0x38;
	[tilespmem:$0x17D00] =	vst v63  }
0x2b: {  	_ =	swait.ge [sflag:s12], $0x80  }
0x2c: {  	[sflag:s12] =	ssyncset.done $0x0  }
0x2d: {  	[sflag:s12] =	ssyncadd.s32 $0xFFFFFF80  }
0x2e: {  	[tilespmem:s14], [sflag:$0x1] =	stream.indirect.gather [hbm4b:s4+s13], $0x80, s3, s13, $0xb8;
	[tilespmem:$0x17D00] =	vst v63  }
0x2f: {  	_ =	swait.ge [sflag:s15], $0x4000  }
.Ltmp0:
0x30: {  	[sflag:s15] =	ssyncset.done $0x0;
	(pc) =	sbr.rel @p0 .LBB2_2-.Ltmp0, $4  }
0x31: {  	[sflag:s15] =	ssyncadd.s32 $0xFFFFC000  }
0x32: {  	[spmem:s2] =	stream.indirect.scatter.add.f32 [tilespmem:s14], [sflag:$0x2], $0x80, s13, s13, $0xb8;
	[tilespmem:$0x17D00] =	vst v63  }
0x33: {  	_ =	swait.ge [sflag:s12], $0x4000  }
0x34: {  	s18 =	smov.u32 s21;
	[sflag:s12] =	ssyncset.done $0x0  }
0x35: {  	s18 =	sadd.s32 s17, s10;
	[sflag:s12] =	ssyncadd.s32 $0xFFFFC000  }
0x36: {  	[tilespmem:s3], [sflag:$0x2] =	stream.linear.gather [hbm4b:s18+s3], $0x80, $0x38;
	[tilespmem:$0x17D00] =	vst v63  }
0x37: {  	_ =	swait.ge [sflag:s12], $0x80  }
0x38: {  	[sflag:s12] =	ssyncset.done $0x0  }
0x39: {  	s31 =	sadd.s32 s17, s9;
	[sflag:s12] =	ssyncadd.s32 $0xFFFFFF80  }
0x3a: {  	[tilespmem:s13], [sflag:$0x2] =	stream.linear.gather [hbm4b:s31+s3], $0x80, $0x38;
	[tilespmem:$0x17D00] =	vst v63  }
0x3b: {  	_ =	swait.ge [sflag:s12], $0x80  }
0x3c: {  	[sflag:s12] =	ssyncset.done $0x0  }
0x3d: {  	[sflag:s12] =	ssyncadd.s32 $0xFFFFFF80  }
0x3e: {  	[tilespmem:s14], [sflag:$0x1] =	stream.indirect.gather [hbm4b:s4+s13], $0x80, s3, s13, $0xb8;
	[tilespmem:$0x17D00] =	vst v63  }
0x3f: {  	_ =	swait.ge [sflag:s15], $0x4000  }
0x40: {  	[sflag:s15] =	ssyncset.done $0x0  }
0x41: {  	[sflag:s15] =	ssyncadd.s32 $0xFFFFC000  }
0x42: {  	[spmem:s2] =	stream.indirect.scatter.add.f32 [tilespmem:s14], [sflag:$0x2], $0x80, s13, s13, $0xb8;
	[tilespmem:$0x17D00] =	vst v63  }
0x43: {  	_ =	swait.ge [sflag:s12], $0x4000  }
0x44: {  	s16 =	sadd.s32 $0x1, s16;
	[sflag:s12] =	ssyncset.done $0x0  }
0x45: {  	p0 =	sne.s32 s16, s8;
	[sflag:s12] =	ssyncadd.s32 $0xFFFFC000  }
.Ltmp1:
0x46: {  	[bflag:$0x0] =	sbarrier.arrive $0xFFFF;
	(pc) =	sbr.rel @p0 .LBB2_1-.Ltmp1, $4  }
0x47: {  	[hbm:s7], [sflag:s6] =	dma.local [spmem:s11], $0x2780  }
0x48: {  	_ =	swait.ge [sflag:s12], $0x2780  }
0x49: {  	[sflag:s12] =	ssyncset.done $0x0  }
0x4a: {  	[sflag:s12] =	ssyncadd.s32 $0xFFFFD880  }
0x4b: {  	_ =	sfence.sel $0x180000  }
0x4c: {  	[bflag:$0x0] =	sbarrier.arrive $0xFFFF  }
0x4d: {  	p0 =	sne.s32 s0, $0x0;
	_ =	strace $0x9000004A  }
0x4e: {  	s0 =	sadd.s32 @!p0 $0x100000, s1;
	[bflag:$0x2] =	sbarrier.arrive $0xFFFF  }
0x4f: {  	[sflag:s0] =	ssyncadd.tile.s32 @!p0 $0x1;
	_ =	shalt  }
.Lfunc_end2:
_tile_overlayer_lowered:
.L_overlay_start_2:
0x50: {  	(tag) =	ssettag $0x2  }
0x51: {  	s0 =	rddreg [dreg:$0x0];
	s2 =	stileid.u32  }
0x52: {  	s1 =	rddreg [dreg:$0x1];
	p0 =	sne.s32 s2, $0x0  }
0x53: {  	s3 =	rddreg [dreg:$0x2];
	[bflag:$0x3] =	sbarrier.arrive $0xFFFF;
	s2 =	simm.s32 @!p0 $0x1C02  }
0x54: {  	[timem:s3], [sflag:s2] =	dma.local @!p0 [hbm:s0], s1  }
0x55: {  	s0 =	simm.s32 @!p0 $0x2  }
0x56: {  	_ =	swait.ge @!p0 [sflag:s0], s1  }
0x57: {  	s1 =	ssub.s32 @!p0 $0x0, s1;
	[sflag:s0] =	ssyncset.done @!p0 $0x0  }
0x58: {  	[sflag:s0] =	ssyncadd.s32 @!p0 s1  }
0x59: {  	[bflag:$0x3] =	sbarrier.arrive $0xFFFF  }
0x5a: {  	_ =	shalt  }

// kernel: kernel.14.cloned.1.call-start
scs
__scs_entry_jumppad:
0x0: {  	(pc) =	sbr.rel $0x88, $3  }
0x1: {  	(tag) =	ssettag $0x0;
	lr =	simm.s32 $0x1  }
0x2: {  	[smem:$0x3F9B] =	sst lr;
	_ =	strace $0xD0000000  }
0x3: {  	_ = 	snop  }
0x4: {  	_ = 	snop  }
0x5: {  	_ = 	snop  }
0x6: {  	_ = 	snop  }
0x7: {  	_ = 	snop  }
__scs_overlays_trampoline_lowered:
0x8: {  	[smem:$0x3FAA] =	sst s0  }
0x9: {  	[smem:$0x3FAB] =	sst s1  }
0xa: {  	[smem:$0x3FAC] =	sst s2  }
0xb: {  	[smem:$0x3FAD] =	sst s3  }
0xc: {  	[smem:$0x3FAE] =	sst s4  }
0xd: {  	[smem:$0x3FAF] =	sst s5  }
0xe: {  	[smem:$0x3FB0] =	sst s6  }
0xf: {  	[smem:$0x3FB1] =	sst s7  }
0x10: {  	[smem:$0x3FB2] =	sst s8  }
0x11: {  	[smem:$0x3FB3] =	sst s9;
	s0 =	simm.s32 @!p0 $0x0  }
0x12: {  	s1 =	sld [smem:$0x3F99];
	s0 =	simm.s32 @p0 $0x1  }
0x13: {  	[smem:$0x3FB4] =	sst s0;
	s0 =	simm.s32 @!p1 $0x0  }
0x14: {  	s2 =	sld [smem:$0x3F98];
	s0 =	simm.s32 @p1 $0x1  }
0x15: {  	[smem:$0x3FB5] =	sst s0;
	s0 =	simm.s32 @!p2 $0x0  }
0x16: {  	s3 =	sld [smem:$0x3FDB];
	s0 =	simm.s32 @p2 $0x1  }
0x17: {  	s4 =	simm.s32 $0x1BF5;
	[smem:$0x3FB7] =	sst s0  }
0x18: {  	s0 =	sld [smem:$0x3F9A];
	_ =	swait.ge [sflag:s4], $0x0  }
0x19: {  	s7 =	sld [smem:$0x3F9B]  }
0x1a: {  	s8 =	sadd.s32 $0xFFFFE003, lr  }
0x1b: {  	s9 =	sadd.s32 $0xFFFFFEF7, lr;
	s5 =	simm.s32 $0xFFFFFFFF;
	p2 =	slt.u32 s8, $0xFFFFF086  }
0x1c: {  	p1 =	slt.u32 s9, $0xF7A;
	s5 =	simm.s32 @!p2 $0x0  }
0x1d: {  	s5 =	simm.s32 @p1 $0x1;
	p0 =	seq.s32 s7, s2  }
0x1e: {  	s7 =	smul.u32 @!p0 $0xF7A, s2;
	p2 =	seq.s32 @!p0 s5, $0x0  }
0x1f: {  	s9 =	smul.u32 $0xF7A, s1;
	s8 =	simm.s32 @!p0 $0x1BF5;
	p2 =	por !p2, p0  }
0x20: {  	[sflag:s8] =	ssyncset.s32 @!p0 $0xFFFFF086;
	s6 =	sadd.s32 @!p0 s3, s7;
	s7 =	simm.s32 @!p0 $0x108  }
0x21: {  	s3 =	sadd.s32 s3, s9;
	s6 =	sadd.s32 @!p0 $0x88, s6;
	s7 =	simm.s32 @p2 $0x1082  }
0x22: {  	[simem:s7], [sflag:s8] =	dma.local @!p0 [hbm:s6], $0xF7A  }
0x23: {  	s9 =	sor.u32 $0xD0000000, s2;
	s6 =	simm.s32 $0x108;
	_ =	swait.ge @!p0 [sflag:s8], $0x0  }
0x24: {  	s3 =	sadd.s32 $0x88, s3;
	s6 =	simm.s32 @!p1 $0x1082;
	[sflag:s4] =	ssyncset.s32 $0xFFFFF086  }
0x25: {  	[simem:s6], [sflag:s4] =	dma.local [hbm:s3], $0xF7A  }
0x26: {  	[smem:$0x3F9B] =	sst s1;
	(tag) =	ssettag s2;
	_ =	strace s9  }
0x27: {  	s1 =	sld [smem:$0x3FAB]  }
0x28: {  	s2 =	sld [smem:$0x3FAC]  }
0x29: {  	s4 =	sld [smem:$0x3FAE]  }
0x2a: {  	p0 =	seq.s32 s5, $0x0;
	s5 =	sld [smem:$0x3FAF]  }
0x2b: {  	s6 =	sld [smem:$0x3FB0]  }
0x2c: {  	s7 =	sld [smem:$0x3FB1]  }
0x2d: {  	s3 =	simm.s32 $0x108;
	s8 =	sld [smem:$0x3FB2]  }
0x2e: {  	s3 =	simm.s32 @!p0 $0x1082;
	s9 =	sld [smem:$0x3FB3]  }
0x2f: {  	lr =	sadd.s32 s0, s3;
	s0 =	sld [smem:$0x3FAA]  }
0x30: {  	s3 =	sld [smem:$0x3FAD]  }
0x31: {  	[smem:$0x3FB6] =	sst s10  }
0x32: {  	s10 =	sld [smem:$0x3FB4];
	_ =	sdelay $0x3  }
0x33: {  	p0 =	seq.s32 s10, $0x1;
	s10 =	sld [smem:$0x3FB6];
	_ =	sdelay $0x3  }
0x34: {  	[smem:$0x3FB6] =	sst s10  }
0x35: {  	s10 =	sld [smem:$0x3FB5];
	_ =	sdelay $0x3  }
0x36: {  	p1 =	seq.s32 s10, $0x1;
	s10 =	sld [smem:$0x3FB6];
	_ =	sdelay $0x3  }
0x37: {  	[smem:$0x3FB6] =	sst s10  }
0x38: {  	s10 =	sld [smem:$0x3FB7]  }
0x39: {  	_ = 	snop;
	(pc) =	sbr.ind lr, $3  }
0x3a: {  	_ = 	snop  }
0x3b: {  	_ = 	snop  }
0x3c: {  	p2 =	seq.s32 s10, $0x1;
	s10 =	sld [smem:$0x3FB6]  }
0x3d: {  	_ =	shalt  }
0x3e: {  	_ =	shalt  }
0x3f: {  	_ =	shalt  }
0x40: {  	_ =	shalt  }
0x41: {  	_ =	shalt  }
0x42: {  	_ =	shalt  }
0x43: {  	_ =	shalt  }
0x44: {  	_ =	shalt  }
0x45: {  	_ =	shalt  }
0x46: {  	_ =	shalt  }
0x47: {  	_ =	shalt  }
0x48: {  	_ =	shalt  }
0x49: {  	_ =	shalt  }
0x4a: {  	_ =	shalt  }
0x4b: {  	_ =	shalt  }
0x4c: {  	_ =	shalt  }
0x4d: {  	_ =	shalt  }
0x4e: {  	_ =	shalt  }
0x4f: {  	_ =	shalt  }
0x50: {  	_ =	shalt  }
0x51: {  	_ =	shalt  }
0x52: {  	_ =	shalt  }
0x53: {  	_ =	shalt  }
0x54: {  	_ =	shalt  }
0x55: {  	_ =	shalt  }
0x56: {  	_ =	shalt  }
0x57: {  	_ =	shalt  }
0x58: {  	_ =	shalt  }
0x59: {  	_ =	shalt  }
0x5a: {  	_ =	shalt  }
0x5b: {  	_ =	shalt  }
0x5c: {  	_ =	shalt  }
0x5d: {  	_ =	shalt  }
0x5e: {  	_ =	shalt  }
0x5f: {  	_ =	shalt  }
0x60: {  	_ =	shalt  }
0x61: {  	_ =	shalt  }
0x62: {  	_ =	shalt  }
0x63: {  	_ =	shalt  }
0x64: {  	_ =	shalt  }
0x65: {  	_ =	shalt  }
0x66: {  	_ =	shalt  }
0x67: {  	_ =	shalt  }
0x68: {  	_ =	shalt  }
0x69: {  	_ =	shalt  }
0x6a: {  	_ =	shalt  }
0x6b: {  	_ =	shalt  }
0x6c: {  	_ =	shalt  }
0x6d: {  	_ =	shalt  }
0x6e: {  	_ =	shalt  }
0x6f: {  	_ =	shalt  }
0x70: {  	_ =	shalt  }
0x71: {  	_ =	shalt  }
0x72: {  	_ =	shalt  }
0x73: {  	_ =	shalt  }
0x74: {  	_ =	shalt  }
0x75: {  	_ =	shalt  }
0x76: {  	_ =	shalt  }
0x77: {  	_ =	shalt  }
0x78: {  	_ =	shalt  }
0x79: {  	_ =	shalt  }
0x7a: {  	_ =	shalt  }
0x7b: {  	_ =	shalt  }
0x7c: {  	_ =	shalt  }
0x7d: {  	_ =	shalt  }
0x7e: {  	_ =	shalt  }
0x7f: {  	_ =	shalt  }
0x80: {  	_ =	shalt  }
0x81: {  	_ =	shalt  }
0x82: {  	_ =	shalt  }
0x83: {  	_ =	shalt  }
0x84: {  	_ =	shalt  }
0x85: {  	_ =	shalt  }
0x86: {  	_ =	shalt  }
0x87: {  	_ =	shalt  }
.Lfunc_end0:
.L_simem_size_0:
called_computation.2_lowered:
.L_overlay_start_0:
0x88: {  	s2 =	sld [smem:$0x3FD9]  }
0x89: {  	s3 =	sld [smem:$0x3FFE];
	_ =	sdelay $0x1  }
0x8a: {  	s1 =	srdreg.scid  }
0x8b: {  	s0 =	sand.u32 $0x1, s1  }
0x8c: {  	s17 =	sshll.u32 s0, $0xA;
	s2 =	sadd.s32 s3, s2  }
0x8d: {  	s2 =	sadd.s32 s2, s17  }
0x8e: {  	[smem:$0x3FC2] =	sst s2  }
0x8f: {  	_ = 	snop  }
0x90: {  	s2 =	sld [smem:$0x3FD0];
	(tm) =	ssettm $0x1  }
0x91: {  	s18 =	sld [smem:$0x3FFB];
	_ =	sdelay $0x3  }
0x92: {  	_ =	strace s18  }
0x93: {  	s3 =	sld [smem:$0x3FFC];
	_ =	sdelay $0x3  }
0x94: {  	_ =	strace s3  }
0x95: {  	s3 =	sld [smem:$0x3FFD];
	_ =	sdelay $0x3  }
0x96: {  	_ =	strace s3  }
0x97: {  	_ =	strace $0x8FFFFFFF  }
0x98: {  	s19 =	sld [smem:$0x3FDB];
	_ =	sdelay $0x1  }
0x99: {  	s4 =	simm.s32 $_scs_section_size  }
0x9a: {  	s5 =	simm.s32 $_size__tile_overlayer_lowered;
	s6 =	simm.s32 $_tile_overlayer_lowered  }
0x9b: {  	s22 =	simm.s32 $0x1BFF;
	s21 =	sshll.u32 s6, $0x1;
	s3 =	sadd.s32 s4, s19  }
0x9c: {  	s7 =	simm.s32 $0x0;
	s20 =	sshll.u32 s5, $0x1;
	s5 =	sadd.s32 s21, s3  }
0x9d: {  	[timem:s7], [sflag:s22] =	dma.local [hbm:s5], s20  }
0x9e: {  	_ =	swait.ge [sflag:s22], s20  }
0x9f: {  	s4 =	ssub.s32 $0x0, s20;
	[sflag:s22] =	ssyncset.done $0x0  }
0xa0: {  	[sflag:s22] =	ssyncadd.s32 s4;
	_ =	sdelay $0x1  }
0xa1: {  	s23 =	simm.s32 $0x1B8B  }
0xa2: {  	_ =	swait.ge [sflag:s23], $0x1  }
0xa3: {  	[sflag:s23] =	ssyncset.done $0x0  }
0xa4: {  	s25 =	simm.s32 $0x1B8E;
	s24 =	sld [smem:$0x3FFE];
	[sflag:s23] =	ssyncadd.s32 $0xFFFFFFFF  }
0xa5: {  	s26 =	simm.s32 $execute0_lowered;
	[smem:$0x3FD2] =	sst s25  }
0xa6: {  	s5 =	sshll.u32 s26, $0x1;
	_ =	strace $0x8000004C;
	[dreg:$0x1] =	wrdreg $0xFFFFFFFF  }
0xa7: {  	s28 =	simm.s32 $_size_execute0_lowered;
	s3 =	sadd.s32 s3, s5;
	[dreg:$0x0] =	wrdreg $0x0  }
0xa8: {  	s5 =	sshll.u32 s28, $0x1;
	[dreg:$0x2] =	wrdreg s3  }
0xa9: {  	[dreg:$0x3] =	wrdreg s5  }
0xaa: {  	[dreg:$0x4] =	wrdreg $0xC0  }
0xab: {  	_ =	task [dreg:s7], $0x5FFFF  }
0xac: {  	[dreg:$0x1] =	wrdreg $0xFFFFFFFF  }
0xad: {  	[dreg:$0x0] =	wrdreg $0x60  }
0xae: {  	[dreg:$0x2] =	wrdreg s24  }
0xaf: {  	[dreg:$0x3] =	wrdreg s2  }
0xb0: {  	[dreg:$0x4] =	wrdreg $0x41000  }
0xb1: {  	[dreg:$0x5] =	wrdreg $0x9  }
0xb2: {  	_ =	task.clear_ibuf [dreg:s7], $0x6FFFF;
	_ =	strace $0x9000004C  }
0xb3: {  	s29 =	simm.s32 $0x9;
	_ =	strace $0x8000004E  }
0xb4: {  	_ =	swait.ge [sflag:s29], $0x1  }
0xb5: {  	[sflag:s29] =	ssyncadd.s32 $0xFFFFFFFF  }
0xb6: {  	_ =	strace $0x9000004E  }
0xb7: {  	_ =	sfence  }
0xb8: {  	s30 =	sld [smem:$0x0];
	_ =	sdelay $0x2  }
0xb9: {  	s31 =	sshll.u32 s1, $0xD;
	s1 =	sshrl.u32 s1, $0x2  }
0xba: {  	s3 =	sand.u32 $0x4000, s31;
	s1 =	sadd.s32 s1, s30  }
0xbb: {  	s0 =	sor.u32 s3, s0;
	s1 =	sshll.u32 s1, $0x11  }
0xbc: {  	s0 =	sor.u32 s1, s0  }
0xbd: {  	s0 =	sadd.s32 $0x8F2B, s0  }
0xbe: {  	[sflag:s0] =	ssyncadd.remote.s32 $0x1  }
0xbf: {  	_ =	sfence.sel $0xFFFF  }
0xc0: {  	[dreg:$0x0] =	wrdreg $0xFFFFFFFF;
	(pc) =	sbr.abs _section_cstart, $3  }
0xc1: {  	[dreg:$0x1] =	wrdreg $0xFFFFFFFF  }
0xc2: {  	_ =	task.clear_ibuf [dreg:s7], $0x2FFFF;
	_ =	strace $0x9FFFFFFF  }
0xc3: {  	(tm) =	ssettm $0x7FFFFFFF  }
tec
execute0_lowered:
.L_overlay_start_1:
0x0: {  	(tag) =	ssettag $0x1  }
0x1: {  	s6 =	rddreg [dreg:$0x0]  }
0x2: {  	s8 =	rddreg [dreg:$0x1]  }
0x3: {  	s0 =	stileid.u32;
	s1 =	srdreg.scid  }
0x4: {  	s2 =	rddreg [dreg:$0x2];
	s3 =	simm.s32 $0x0;
	s9 =	smul.u32 $0xA00, s0  }
0x5: {  	s7 =	sand.u32 $0x1, s1;
	s1 =	rddreg [dreg:$0x3];
	s10 =	smul.u32 $0x13C00, s0  }
0x6: {  	s16 =	simm.s32 $0x0;
	[smem:$0x7FF] =	sst s3;
	s13 =	smul.u32 $0x4F000, s0  }
0x7: {  	s4 =	sadd.s32 $0x5CA00, s6;
	s14 =	sshll.u32 s0, $0x6;
	s5 =	smul.u32 $0x13C000, s7  }
0x8: {  	_ =	strace $0x8000004D;
	s12 =	ssub.s32 $0x2, s7;
	s15 =	smul.u32 $0x500, s7  }
0x9: {  	s11 =	sadd.s32 s9, s6;
	s30 =	sshrl.u32 s12, $0x1;
	s13 =	sshrl.u32 s13, $0x2  }
0xa: {  	s9 =	sadd.s32 s9, s8;
	s5 =	sadd.s32 s10, s5;
	s12 =	ssub.s32 s12, s30  }
0xb: {  	s13 =	sadd.s32 s13, s2;
	s31 =	sadd.s32 s15, s11;
	s9 =	sadd.s32 s15, s9  }
0xc: {  	s15 =	simm.s32 $0x1;
	s10 =	sshrl.u32 s5, $0x3;
	s5 =	sadd.s32 $0x84200, s6  }
0xd: {  	s8 =	smax.u32 s12, $0x1;
	s11 =	sshrl.u32 s13, $0x3;
	s12 =	simm.s32 $0x2  }
0xe: {  	s13 =	simm.s32 $0x80;
	s10 =	sadd.s32 s10, s6;
	s6 =	sor.u32 $0x1C02, s14  }
0xf: {  	s14 =	simm.s32 $0x100;
	s7 =	sadd.s32 $0x86A00, s10;
	s10 =	sadd.s32 $0x3A00, s31  }
.LBB2_1:
0x10: {  	[spmem:s11], [sflag:s6] =	dma.local [hbm:s5], $0x2780  }
0x11: {  	_ =	swait.ge [sflag:s12], $0x2780  }
0x12: {  	[sflag:s12] =	ssyncset.done $0x0  }
0x13: {  	[sflag:s12] =	ssyncadd.s32 $0xFFFFD880  }
0x14: {  	s17 =	sadd.s32 $0x0, s10;
	[bflag:$0x0] =	sbarrier.arrive $0xFFFF  }
0x15: {  	[tilespmem:s3], [sflag:$0x2] =	stream.linear.gather [hbm4b:s17+s3], $0x80, $0x38;
	[tilespmem:$0x17D00] =	vst v63  }
0x16: {  	_ =	swait.ge [sflag:s12], $0x80  }
0x17: {  	[sflag:s12] =	ssyncset.done $0x0  }
0x18: {  	s31 =	sadd.s32 $0x0, s9;
	[sflag:s12] =	ssyncadd.s32 $0xFFFFFF80  }
0x19: {  	[tilespmem:s13], [sflag:$0x2] =	stream.linear.gather [hbm4b:s31+s3], $0x80, $0x38;
	[tilespmem:$0x17D00] =	vst v63  }
0x1a: {  	_ =	swait.ge [sflag:s12], $0x80  }
0x1b: {  	[sflag:s12] =	ssyncset.done $0x0  }
0x1c: {  	[sflag:s12] =	ssyncadd.s32 $0xFFFFFF80  }
0x1d: {  	[tilespmem:s14], [sflag:$0x1] =	stream.indirect.gather [hbm4b:s4+s13], $0x80, s3, s13, $0xb8;
	[tilespmem:$0x17D00] =	vst v63  }
0x1e: {  	_ =	swait.ge [sflag:s15], $0x4000  }
0x1f: {  	[sflag:s15] =	ssyncset.done $0x0  }
0x20: {  	[sflag:s15] =	ssyncadd.s32 $0xFFFFC000  }
0x21: {  	[spmem:s2] =	stream.indirect.scatter.add.f32 [tilespmem:s14], [sflag:$0x2], $0x80, s13, s13, $0xb8;
	[tilespmem:$0x17D00] =	vst v63  }
0x22: {  	_ =	swait.ge [sflag:s12], $0x4000  }
0x23: {  	s18 =	simm.s32 $0x20;
	s17 =	simm.s32 $0x10;
	[sflag:s12] =	ssyncset.done $0x0  }
.LBB2_2:
0x24: {  	s19 =	sadd.s32 s17, s10  }
0x25: {  	[sflag:s12] =	ssyncadd.s32 $0xFFFFC000;
	s20 =	smov.u32 s18;
	s21 =	sadd.s32 $0x10, s18  }
0x26: {  	[tilespmem:s3], [sflag:$0x2] =	stream.linear.gather [hbm4b:s19+s3], $0x80, $0x38;
	[tilespmem:$0x17D00] =	vst v63  }
0x27: {  	p0 =	sne.s32 s18, $0x4F0;
	_ =	swait.ge [sflag:s12], $0x80  }
0x28: {  	[sflag:s12] =	ssyncset.done $0x0  }
0x29: {  	s18 =	sadd.s32 s17, s9;
	s17 =	smov.u32 s20;
	[sflag:s12] =	ssyncadd.s32 $0xFFFFFF80  }
0x2a: {  	[tilespmem:s13], [sflag:$0x2] =	stream.linear.gather [hbm4b:s18+s3], $0x80, $0x38;
	[tilespmem:$0x17D00] =	vst v63  }
0x2b: {  	_ =	swait.ge [sflag:s12], $0x80  }
0x2c: {  	[sflag:s12] =	ssyncset.done $0x0  }
0x2d: {  	[sflag:s12] =	ssyncadd.s32 $0xFFFFFF80  }
0x2e: {  	[tilespmem:s14], [sflag:$0x1] =	stream.indirect.gather [hbm4b:s4+s13], $0x80, s3, s13, $0xb8;
	[tilespmem:$0x17D00] =	vst v63  }
0x2f: {  	_ =	swait.ge [sflag:s15], $0x4000  }
.Ltmp0:
0x30: {  	[sflag:s15] =	ssyncset.done $0x0;
	(pc) =	sbr.rel @p0 .LBB2_2-.Ltmp0, $4  }
0x31: {  	[sflag:s15] =	ssyncadd.s32 $0xFFFFC000  }
0x32: {  	[spmem:s2] =	stream.indirect.scatter.add.f32 [tilespmem:s14], [sflag:$0x2], $0x80, s13, s13, $0xb8;
	[tilespmem:$0x17D00] =	vst v63  }
0x33: {  	_ =	swait.ge [sflag:s12], $0x4000  }
0x34: {  	s18 =	smov.u32 s21;
	[sflag:s12] =	ssyncset.done $0x0  }
0x35: {  	s18 =	sadd.s32 s17, s10;
	[sflag:s12] =	ssyncadd.s32 $0xFFFFC000  }
0x36: {  	[tilespmem:s3], [sflag:$0x2] =	stream.linear.gather [hbm4b:s18+s3], $0x80, $0x38;
	[tilespmem:$0x17D00] =	vst v63  }
0x37: {  	_ =	swait.ge [sflag:s12], $0x80  }
0x38: {  	[sflag:s12] =	ssyncset.done $0x0  }
0x39: {  	s31 =	sadd.s32 s17, s9;
	[sflag:s12] =	ssyncadd.s32 $0xFFFFFF80  }
0x3a: {  	[tilespmem:s13], [sflag:$0x2] =	stream.linear.gather [hbm4b:s31+s3], $0x80, $0x38;
	[tilespmem:$0x17D00] =	vst v63  }
0x3b: {  	_ =	swait.ge [sflag:s12], $0x80  }
0x3c: {  	[sflag:s12] =	ssyncset.done $0x0  }
0x3d: {  	[sflag:s12] =	ssyncadd.s32 $0xFFFFFF80  }
0x3e: {  	[tilespmem:s14], [sflag:$0x1] =	stream.indirect.gather [hbm4b:s4+s13], $0x80, s3, s13, $0xb8;
	[tilespmem:$0x17D00] =	vst v63  }
0x3f: {  	_ =	swait.ge [sflag:s15], $0x4000  }
0x40: {  	[sflag:s15] =	ssyncset.done $0x0  }
0x41: {  	[sflag:s15] =	ssyncadd.s32 $0xFFFFC000  }
0x42: {  	[spmem:s2] =	stream.indirect.scatter.add.f32 [tilespmem:s14], [sflag:$0x2], $0x80, s13, s13, $0xb8;
	[tilespmem:$0x17D00] =	vst v63  }
0x43: {  	_ =	swait.ge [sflag:s12], $0x4000  }
0x44: {  	s16 =	sadd.s32 $0x1, s16;
	[sflag:s12] =	ssyncset.done $0x0  }
0x45: {  	p0 =	sne.s32 s16, s8;
	[sflag:s12] =	ssyncadd.s32 $0xFFFFC000  }
.Ltmp1:
0x46: {  	[bflag:$0x0] =	sbarrier.arrive $0xFFFF;
	(pc) =	sbr.rel @p0 .LBB2_1-.Ltmp1, $4  }
0x47: {  	[hbm:s7], [sflag:s6] =	dma.local [spmem:s11], $0x2780  }
0x48: {  	_ =	swait.ge [sflag:s12], $0x2780  }
0x49: {  	[sflag:s12] =	ssyncset.done $0x0  }
0x4a: {  	[sflag:s12] =	ssyncadd.s32 $0xFFFFD880  }
0x4b: {  	_ =	sfence.sel $0x180000  }
0x4c: {  	[bflag:$0x0] =	sbarrier.arrive $0xFFFF  }
0x4d: {  	p0 =	sne.s32 s0, $0x0;
	_ =	strace $0x9000004D  }
0x4e: {  	s0 =	sadd.s32 @!p0 $0x100000, s1;
	[bflag:$0x2] =	sbarrier.arrive $0xFFFF  }
0x4f: {  	[sflag:s0] =	ssyncadd.tile.s32 @!p0 $0x1;
	_ =	shalt  }
.Lfunc_end2:
_tile_overlayer_lowered:
.L_overlay_start_2:
0x50: {  	(tag) =	ssettag $0x2  }
0x51: {  	s0 =	rddreg [dreg:$0x0];
	s2 =	stileid.u32  }
0x52: {  	s1 =	rddreg [dreg:$0x1];
	p0 =	sne.s32 s2, $0x0  }
0x53: {  	s3 =	rddreg [dreg:$0x2];
	[bflag:$0x3] =	sbarrier.arrive $0xFFFF;
	s2 =	simm.s32 @!p0 $0x1C02  }
0x54: {  	[timem:s3], [sflag:s2] =	dma.local @!p0 [hbm:s0], s1  }
0x55: {  	s0 =	simm.s32 @!p0 $0x2  }
0x56: {  	_ =	swait.ge @!p0 [sflag:s0], s1  }
0x57: {  	s1 =	ssub.s32 @!p0 $0x0, s1;
	[sflag:s0] =	ssyncset.done @!p0 $0x0  }
0x58: {  	[sflag:s0] =	ssyncadd.s32 @!p0 s1  }
0x59: {  	[bflag:$0x3] =	sbarrier.arrive $0xFFFF  }
0x5a: {  	_ =	shalt  }

// kernel: kernel.8.cloned.1.call-start
scs
__scs_entry_jumppad:
0x0: {  	(pc) =	sbr.rel $0x88, $3  }
0x1: {  	(tag) =	ssettag $0x0;
	lr =	simm.s32 $0x1  }
0x2: {  	[smem:$0x3F9B] =	sst lr;
	_ =	strace $0xD0000000  }
0x3: {  	_ = 	snop  }
0x4: {  	_ = 	snop  }
0x5: {  	_ = 	snop  }
0x6: {  	_ = 	snop  }
0x7: {  	_ = 	snop  }
__scs_overlays_trampoline_lowered:
0x8: {  	[smem:$0x3FAA] =	sst s0  }
0x9: {  	[smem:$0x3FAB] =	sst s1  }
0xa: {  	[smem:$0x3FAC] =	sst s2  }
0xb: {  	[smem:$0x3FAD] =	sst s3  }
0xc: {  	[smem:$0x3FAE] =	sst s4  }
0xd: {  	[smem:$0x3FAF] =	sst s5  }
0xe: {  	[smem:$0x3FB0] =	sst s6  }
0xf: {  	[smem:$0x3FB1] =	sst s7  }
0x10: {  	[smem:$0x3FB2] =	sst s8  }
0x11: {  	[smem:$0x3FB3] =	sst s9;
	s0 =	simm.s32 @!p0 $0x0  }
0x12: {  	s1 =	sld [smem:$0x3F99];
	s0 =	simm.s32 @p0 $0x1  }
0x13: {  	[smem:$0x3FB4] =	sst s0;
	s0 =	simm.s32 @!p1 $0x0  }
0x14: {  	s2 =	sld [smem:$0x3F98];
	s0 =	simm.s32 @p1 $0x1  }
0x15: {  	[smem:$0x3FB5] =	sst s0;
	s0 =	simm.s32 @!p2 $0x0  }
0x16: {  	s3 =	sld [smem:$0x3FDB];
	s0 =	simm.s32 @p2 $0x1  }
0x17: {  	s4 =	simm.s32 $0x1BF5;
	[smem:$0x3FB7] =	sst s0  }
0x18: {  	s0 =	sld [smem:$0x3F9A];
	_ =	swait.ge [sflag:s4], $0x0  }
0x19: {  	s7 =	sld [smem:$0x3F9B]  }
0x1a: {  	s8 =	sadd.s32 $0xFFFFE003, lr  }
0x1b: {  	s9 =	sadd.s32 $0xFFFFFEF7, lr;
	s5 =	simm.s32 $0xFFFFFFFF;
	p2 =	slt.u32 s8, $0xFFFFF086  }
0x1c: {  	p1 =	slt.u32 s9, $0xF7A;
	s5 =	simm.s32 @!p2 $0x0  }
0x1d: {  	s5 =	simm.s32 @p1 $0x1;
	p0 =	seq.s32 s7, s2  }
0x1e: {  	s7 =	smul.u32 @!p0 $0xF7A, s2;
	p2 =	seq.s32 @!p0 s5, $0x0  }
0x1f: {  	s9 =	smul.u32 $0xF7A, s1;
	s8 =	simm.s32 @!p0 $0x1BF5;
	p2 =	por !p2, p0  }
0x20: {  	[sflag:s8] =	ssyncset.s32 @!p0 $0xFFFFF086;
	s6 =	sadd.s32 @!p0 s3, s7;
	s7 =	simm.s32 @!p0 $0x108  }
0x21: {  	s3 =	sadd.s32 s3, s9;
	s6 =	sadd.s32 @!p0 $0x88, s6;
	s7 =	simm.s32 @p2 $0x1082  }
0x22: {  	[simem:s7], [sflag:s8] =	dma.local @!p0 [hbm:s6], $0xF7A  }
0x23: {  	s9 =	sor.u32 $0xD0000000, s2;
	s6 =	simm.s32 $0x108;
	_ =	swait.ge @!p0 [sflag:s8], $0x0  }
0x24: {  	s3 =	sadd.s32 $0x88, s3;
	s6 =	simm.s32 @!p1 $0x1082;
	[sflag:s4] =	ssyncset.s32 $0xFFFFF086  }
0x25: {  	[simem:s6], [sflag:s4] =	dma.local [hbm:s3], $0xF7A  }
0x26: {  	[smem:$0x3F9B] =	sst s1;
	(tag) =	ssettag s2;
	_ =	strace s9  }
0x27: {  	s1 =	sld [smem:$0x3FAB]  }
0x28: {  	s2 =	sld [smem:$0x3FAC]  }
0x29: {  	s4 =	sld [smem:$0x3FAE]  }
0x2a: {  	p0 =	seq.s32 s5, $0x0;
	s5 =	sld [smem:$0x3FAF]  }
0x2b: {  	s6 =	sld [smem:$0x3FB0]  }
0x2c: {  	s7 =	sld [smem:$0x3FB1]  }
0x2d: {  	s3 =	simm.s32 $0x108;
	s8 =	sld [smem:$0x3FB2]  }
0x2e: {  	s3 =	simm.s32 @!p0 $0x1082;
	s9 =	sld [smem:$0x3FB3]  }
0x2f: {  	lr =	sadd.s32 s0, s3;
	s0 =	sld [smem:$0x3FAA]  }
0x30: {  	s3 =	sld [smem:$0x3FAD]  }
0x31: {  	[smem:$0x3FB6] =	sst s10  }
0x32: {  	s10 =	sld [smem:$0x3FB4];
	_ =	sdelay $0x3  }
0x33: {  	p0 =	seq.s32 s10, $0x1;
	s10 =	sld [smem:$0x3FB6];
	_ =	sdelay $0x3  }
0x34: {  	[smem:$0x3FB6] =	sst s10  }
0x35: {  	s10 =	sld [smem:$0x3FB5];
	_ =	sdelay $0x3  }
0x36: {  	p1 =	seq.s32 s10, $0x1;
	s10 =	sld [smem:$0x3FB6];
	_ =	sdelay $0x3  }
0x37: {  	[smem:$0x3FB6] =	sst s10  }
0x38: {  	s10 =	sld [smem:$0x3FB7]  }
0x39: {  	_ = 	snop;
	(pc) =	sbr.ind lr, $3  }
0x3a: {  	_ = 	snop  }
0x3b: {  	_ = 	snop  }
0x3c: {  	p2 =	seq.s32 s10, $0x1;
	s10 =	sld [smem:$0x3FB6]  }
0x3d: {  	_ =	shalt  }
0x3e: {  	_ =	shalt  }
0x3f: {  	_ =	shalt  }
0x40: {  	_ =	shalt  }
0x41: {  	_ =	shalt  }
0x42: {  	_ =	shalt  }
0x43: {  	_ =	shalt  }
0x44: {  	_ =	shalt  }
0x45: {  	_ =	shalt  }
0x46: {  	_ =	shalt  }
0x47: {  	_ =	shalt  }
0x48: {  	_ =	shalt  }
0x49: {  	_ =	shalt  }
0x4a: {  	_ =	shalt  }
0x4b: {  	_ =	shalt  }
0x4c: {  	_ =	shalt  }
0x4d: {  	_ =	shalt  }
0x4e: {  	_ =	shalt  }
0x4f: {  	_ =	shalt  }
0x50: {  	_ =	shalt  }
0x51: {  	_ =	shalt  }
0x52: {  	_ =	shalt  }
0x53: {  	_ =	shalt  }
0x54: {  	_ =	shalt  }
0x55: {  	_ =	shalt  }
0x56: {  	_ =	shalt  }
0x57: {  	_ =	shalt  }
0x58: {  	_ =	shalt  }
0x59: {  	_ =	shalt  }
0x5a: {  	_ =	shalt  }
0x5b: {  	_ =	shalt  }
0x5c: {  	_ =	shalt  }
0x5d: {  	_ =	shalt  }
0x5e: {  	_ =	shalt  }
0x5f: {  	_ =	shalt  }
0x60: {  	_ =	shalt  }
0x61: {  	_ =	shalt  }
0x62: {  	_ =	shalt  }
0x63: {  	_ =	shalt  }
0x64: {  	_ =	shalt  }
0x65: {  	_ =	shalt  }
0x66: {  	_ =	shalt  }
0x67: {  	_ =	shalt  }
0x68: {  	_ =	shalt  }
0x69: {  	_ =	shalt  }
0x6a: {  	_ =	shalt  }
0x6b: {  	_ =	shalt  }
0x6c: {  	_ =	shalt  }
0x6d: {  	_ =	shalt  }
0x6e: {  	_ =	shalt  }
0x6f: {  	_ =	shalt  }
0x70: {  	_ =	shalt  }
0x71: {  	_ =	shalt  }
0x72: {  	_ =	shalt  }
0x73: {  	_ =	shalt  }
0x74: {  	_ =	shalt  }
0x75: {  	_ =	shalt  }
0x76: {  	_ =	shalt  }
0x77: {  	_ =	shalt  }
0x78: {  	_ =	shalt  }
0x79: {  	_ =	shalt  }
0x7a: {  	_ =	shalt  }
0x7b: {  	_ =	shalt  }
0x7c: {  	_ =	shalt  }
0x7d: {  	_ =	shalt  }
0x7e: {  	_ =	shalt  }
0x7f: {  	_ =	shalt  }
0x80: {  	_ =	shalt  }
0x81: {  	_ =	shalt  }
0x82: {  	_ =	shalt  }
0x83: {  	_ =	shalt  }
0x84: {  	_ =	shalt  }
0x85: {  	_ =	shalt  }
0x86: {  	_ =	shalt  }
0x87: {  	_ =	shalt  }
.Lfunc_end0:
.L_simem_size_0:
called_computation_lowered:
.L_overlay_start_0:
0x88: {  	s2 =	sld [smem:$0x3FD9]  }
0x89: {  	s3 =	sld [smem:$0x3FFE];
	_ =	sdelay $0x1  }
0x8a: {  	s1 =	srdreg.scid  }
0x8b: {  	s0 =	sand.u32 $0x1, s1  }
0x8c: {  	s17 =	sshll.u32 s0, $0xA;
	s2 =	sadd.s32 s3, s2  }
0x8d: {  	s2 =	sadd.s32 s2, s17  }
0x8e: {  	[smem:$0x3FC2] =	sst s2  }
0x8f: {  	_ = 	snop  }
0x90: {  	s2 =	sld [smem:$0x3FD0];
	(tm) =	ssettm $0x1  }
0x91: {  	s18 =	sld [smem:$0x3FFB];
	_ =	sdelay $0x3  }
0x92: {  	_ =	strace s18  }
0x93: {  	s3 =	sld [smem:$0x3FFC];
	_ =	sdelay $0x3  }
0x94: {  	_ =	strace s3  }
0x95: {  	s3 =	sld [smem:$0x3FFD];
	_ =	sdelay $0x3  }
0x96: {  	_ =	strace s3  }
0x97: {  	_ =	strace $0x8FFFFFFF  }
0x98: {  	s19 =	sld [smem:$0x3FDB];
	_ =	sdelay $0x1  }
0x99: {  	s4 =	simm.s32 $_scs_section_size  }
0x9a: {  	s5 =	simm.s32 $_size__tile_overlayer_lowered;
	s6 =	simm.s32 $_tile_overlayer_lowered  }
0x9b: {  	s22 =	simm.s32 $0x1BFF;
	s21 =	sshll.u32 s6, $0x1;
	s3 =	sadd.s32 s4, s19  }
0x9c: {  	s7 =	simm.s32 $0x0;
	s20 =	sshll.u32 s5, $0x1;
	s5 =	sadd.s32 s21, s3  }
0x9d: {  	[timem:s7], [sflag:s22] =	dma.local [hbm:s5], s20  }
0x9e: {  	_ =	swait.ge [sflag:s22], s20  }
0x9f: {  	s4 =	ssub.s32 $0x0, s20;
	[sflag:s22] =	ssyncset.done $0x0  }
0xa0: {  	[sflag:s22] =	ssyncadd.s32 s4;
	_ =	sdelay $0x1  }
0xa1: {  	s23 =	simm.s32 $0x1B8B  }
0xa2: {  	_ =	swait.ge [sflag:s23], $0x1  }
0xa3: {  	[sflag:s23] =	ssyncset.done $0x0  }
0xa4: {  	s25 =	simm.s32 $0x1B8E;
	s24 =	sld [smem:$0x3FFE];
	[sflag:s23] =	ssyncadd.s32 $0xFFFFFFFF  }
0xa5: {  	s26 =	simm.s32 $execute0_lowered;
	[smem:$0x3FD2] =	sst s25  }
0xa6: {  	s5 =	sshll.u32 s26, $0x1;
	_ =	strace $0x80000046;
	[dreg:$0x1] =	wrdreg $0xFFFFFFFF  }
0xa7: {  	s28 =	simm.s32 $_size_execute0_lowered;
	s3 =	sadd.s32 s3, s5;
	[dreg:$0x0] =	wrdreg $0x0  }
0xa8: {  	s5 =	sshll.u32 s28, $0x1;
	[dreg:$0x2] =	wrdreg s3  }
0xa9: {  	[dreg:$0x3] =	wrdreg s5  }
0xaa: {  	[dreg:$0x4] =	wrdreg $0xC0  }
0xab: {  	_ =	task [dreg:s7], $0x5FFFF  }
0xac: {  	[dreg:$0x1] =	wrdreg $0xFFFFFFFF  }
0xad: {  	[dreg:$0x0] =	wrdreg $0x60  }
0xae: {  	[dreg:$0x2] =	wrdreg s2  }
0xaf: {  	[dreg:$0x3] =	wrdreg s24  }
0xb0: {  	[dreg:$0x4] =	wrdreg $0x1000  }
0xb1: {  	[dreg:$0x5] =	wrdreg $0x9  }
0xb2: {  	_ =	task.clear_ibuf [dreg:s7], $0x6FFFF;
	_ =	strace $0x90000046  }
0xb3: {  	s29 =	simm.s32 $0x9;
	_ =	strace $0x80000048  }
0xb4: {  	_ =	swait.ge [sflag:s29], $0x1  }
0xb5: {  	[sflag:s29] =	ssyncadd.s32 $0xFFFFFFFF  }
0xb6: {  	_ =	strace $0x90000048  }
0xb7: {  	_ =	sfence  }
0xb8: {  	s30 =	sld [smem:$0x0];
	_ =	sdelay $0x2  }
0xb9: {  	s31 =	sshll.u32 s1, $0xD;
	s1 =	sshrl.u32 s1, $0x2  }
0xba: {  	s3 =	sand.u32 $0x4000, s31;
	s1 =	sadd.s32 s1, s30  }
0xbb: {  	s0 =	sor.u32 s3, s0;
	s1 =	sshll.u32 s1, $0x11  }
0xbc: {  	s0 =	sor.u32 s1, s0  }
0xbd: {  	s0 =	sadd.s32 $0x8F2B, s0  }
0xbe: {  	[sflag:s0] =	ssyncadd.remote.s32 $0x1  }
0xbf: {  	_ =	sfence.sel $0xFFFF  }
0xc0: {  	[dreg:$0x0] =	wrdreg $0xFFFFFFFF;
	(pc) =	sbr.abs _section_cstart, $3  }
0xc1: {  	[dreg:$0x1] =	wrdreg $0xFFFFFFFF  }
0xc2: {  	_ =	task.clear_ibuf [dreg:s7], $0x2FFFF;
	_ =	strace $0x9FFFFFFF  }
0xc3: {  	(tm) =	ssettm $0x7FFFFFFF  }
tec
execute0_lowered:
.L_overlay_start_1:
0x0: {  	(tag) =	ssettag $0x1  }
0x1: {  	s5 =	rddreg [dreg:$0x0]  }
0x2: {  	s3 =	rddreg [dreg:$0x1]  }
0x3: {  	s1 =	rddreg [dreg:$0x2]  }
0x4: {  	s0 =	rddreg [dreg:$0x3];
	s2 =	simm.s32 $0x0;
	s4 =	srdreg.scid  }
0x5: {  	s7 =	stileid.u32;
	[smem:$0x7FF] =	sst s2;
	s4 =	sand.u32 $0x1, s4  }
0x6: {  	s10 =	smul.u32 $0xA00, s7;
	p0 =	sne.s32 s7, $0x0;
	_ =	strace $0x80000047  }
0x7: {  	s6 =	sshll.u32 s4, $0x4;
	s8 =	ssub.s32 $0x2, s4;
	s30 =	smul.u32 $0x500, s4  }
0x8: {  	s7 =	sshrl.u32 @!p0 s1, $0x3;
	s6 =	sadd.s32 s6, s3;
	s9 =	sshrl.u32 s8, $0x1  }
0x9: {  	s3 =	sadd.s32 $0x2A00, s3;
	s31 =	sadd.s32 s10, s5;
	s10 =	simm.s32 $0x0  }
0xa: {  	s8 =	ssub.s32 s8, s9;
	s4 =	sadd.s32 $0x3000, s6;
	s6 =	sadd.s32 s30, s31  }
0xb: {  	v0 =	vimm.f32 $1.000000000e+00;
	s9 =	simm.s32 $0x80;
	s5 =	smax.u32 s8, $0x1;
	s8 =	simm.s32 $0x1  }
.LBB2_1:
0xc: {  	s11 =	simm.s32 @!p0 $0x1C01  }
0xd: {  	[spmem:s7], [sflag:s11] =	dma.local @!p0 [hbm:s3], $0x4F0  }
0xe: {  	s11 =	simm.s32 @!p0 $0x1  }
0xf: {  	_ =	swait.ge @!p0 [sflag:s11], $0x4F0  }
0x10: {  	[sflag:s11] =	ssyncset.done @!p0 $0x0  }
0x11: {  	[sflag:s11] =	ssyncadd.s32 @!p0 $0xFFFFFB10  }
0x12: {  	[tilespmem:$0x80] =	vst v0  }
0x13: {  	[tilespmem:$0x90] =	vst v0  }
0x14: {  	[tilespmem:$0xA0] =	vst v0  }
0x15: {  	[tilespmem:$0xB0] =	vst v0  }
0x16: {  	[tilespmem:$0xC0] =	vst v0  }
0x17: {  	[tilespmem:$0xD0] =	vst v0  }
0x18: {  	[tilespmem:$0xE0] =	vst v0  }
0x19: {  	[tilespmem:$0xF0] =	vst v0  }
0x1a: {  	s31 =	sadd.s32 $0x0, s6;
	[bflag:$0x0] =	sbarrier.arrive $0xFFFF  }
0x1b: {  	[tilespmem:s2], [sflag:$0x1] =	stream.linear.gather [hbm4b:s31+s2], $0x80, $0x38;
	[tilespmem:$0x378] =	vst v63  }
0x1c: {  	_ =	swait.ge [sflag:s8], $0x80  }
0x1d: {  	[sflag:s8] =	ssyncset.done $0x0  }
0x1e: {  	[sflag:s8] =	ssyncadd.s32 $0xFFFFFF80  }
0x1f: {  	[spmem:s1] =	stream.indirect.scatter.add.f32 [tilespmem:s9], [sflag:$0x1], $0x1, s2, s9, $0xb8;
	[tilespmem:$0x378] =	vst v63  }
0x20: {  	_ =	swait.ge [sflag:s8], $0x80  }
0x21: {  	s12 =	simm.s32 $0x20;
	s11 =	simm.s32 $0x10;
	[sflag:s8] =	ssyncset.done $0x0  }
.LBB2_2:
0x22: {  	s13 =	sadd.s32 s11, s6  }
0x23: {  	[sflag:s8] =	ssyncadd.s32 $0xFFFFFF80;
	s11 =	smov.u32 s12;
	s14 =	sadd.s32 $0x10, s12  }
0x24: {  	[tilespmem:s2], [sflag:$0x1] =	stream.linear.gather [hbm4b:s13+s2], $0x80, $0x38;
	[tilespmem:$0x378] =	vst v63  }
0x25: {  	p1 =	sne.s32 s12, $0x4F0;
	_ =	swait.ge [sflag:s8], $0x80  }
.Ltmp0:
0x26: {  	[sflag:s8] =	ssyncset.done $0x0;
	(pc) =	sbr.rel @p1 .LBB2_2-.Ltmp0, $4  }
0x27: {  	[sflag:s8] =	ssyncadd.s32 $0xFFFFFF80  }
0x28: {  	[spmem:s1] =	stream.indirect.scatter.add.f32 [tilespmem:s9], [sflag:$0x1], $0x1, s2, s9, $0xb8;
	[tilespmem:$0x378] =	vst v63  }
0x29: {  	_ =	swait.ge [sflag:s8], $0x80  }
0x2a: {  	s12 =	smov.u32 s14;
	[sflag:s8] =	ssyncset.done $0x0  }
0x2b: {  	s11 =	sadd.s32 s11, s6;
	[sflag:s8] =	ssyncadd.s32 $0xFFFFFF80  }
0x2c: {  	[tilespmem:s2], [sflag:$0x1] =	stream.linear.gather [hbm4b:s11+s2], $0x80, $0x38;
	[tilespmem:$0x378] =	vst v63  }
0x2d: {  	_ =	swait.ge [sflag:s8], $0x80  }
0x2e: {  	[sflag:s8] =	ssyncset.done $0x0  }
0x2f: {  	[sflag:s8] =	ssyncadd.s32 $0xFFFFFF80  }
0x30: {  	[spmem:s1] =	stream.indirect.scatter.add.f32 [tilespmem:s9], [sflag:$0x1], $0x1, s2, s9, $0xb8;
	[tilespmem:$0x378] =	vst v63  }
0x31: {  	s12 =	simm.s32 @!p0 $0x20;
	_ =	swait.ge [sflag:s8], $0x80  }
0x32: {  	s13 =	simm.s32 @!p0 $0x10;
	s10 =	sadd.s32 $0x1, s10;
	[sflag:s8] =	ssyncset.done $0x0  }
0x33: {  	s14 =	simm.s32 @!p0 $0x1C01;
	p1 =	sne.s32 s10, s5;
	[sflag:s8] =	ssyncadd.s32 $0xFFFFFF80  }
.Ltmp1:
0x34: {  	s11 =	simm.s32 @!p0 $0x1;
	[bflag:$0x0] =	sbarrier.arrive $0xFFFF;
	(pc) =	sbr.rel @p1 .LBB2_1-.Ltmp1, $4  }
0x35: {  	[hbm:s4@s12], [sflag:s14] =	dma.strided @!p0 [spmem:s7@s13], $0x4F0, s11, $0x10   }
0x36: {  	_ =	swait.ge @!p0 [sflag:s11], $0x4F0  }
0x37: {  	[sflag:s11] =	ssyncset.done @!p0 $0x0  }
0x38: {  	[sflag:s11] =	ssyncadd.s32 @!p0 $0xFFFFFB10  }
0x39: {  	_ =	sfence.sel $0x180000  }
0x3a: {  	[bflag:$0x0] =	sbarrier.arrive $0xFFFF  }
0x3b: {  	_ =	strace $0x90000047  }
0x3c: {  	s0 =	sadd.s32 @!p0 $0x100000, s0;
	[bflag:$0x2] =	sbarrier.arrive $0xFFFF  }
0x3d: {  	[sflag:s0] =	ssyncadd.tile.s32 @!p0 $0x1;
	_ =	shalt  }
.Lfunc_end2:
_tile_overlayer_lowered:
.L_overlay_start_2:
0x3e: {  	(tag) =	ssettag $0x2  }
0x3f: {  	s0 =	rddreg [dreg:$0x0];
	s2 =	stileid.u32  }
0x40: {  	s1 =	rddreg [dreg:$0x1];
	p0 =	sne.s32 s2, $0x0  }
0x41: {  	s3 =	rddreg [dreg:$0x2];
	[bflag:$0x3] =	sbarrier.arrive $0xFFFF;
	s2 =	simm.s32 @!p0 $0x1C01  }
0x42: {  	[timem:s3], [sflag:s2] =	dma.local @!p0 [hbm:s0], s1  }
0x43: {  	s0 =	simm.s32 @!p0 $0x1  }
0x44: {  	_ =	swait.ge @!p0 [sflag:s0], s1  }
0x45: {  	s1 =	ssub.s32 @!p0 $0x0, s1;
	[sflag:s0] =	ssyncset.done @!p0 $0x0  }
0x46: {  	[sflag:s0] =	ssyncadd.s32 @!p0 s1  }
0x47: {  	[bflag:$0x3] =	sbarrier.arrive $0xFFFF  }
0x48: {  	_ =	shalt  }

</sc_bundles>
